<compile_context>
chip_gen: v7x
topology: tpu7x:2x2x1
jax: 0.10.2.dev20260603
libtpu: 0.0.44.dev20260713+nightly
codegen_flags: <defaults>
</compile_context>

<pallas_src>
import functools

import jax
import jax.numpy as jnp
from jax import lax
from jax.experimental import pallas as pl
from jax.experimental.pallas import tpu as pltpu
from jax.experimental.pallas import tpu_sc as plsc

T = 200
B = 4096
D = 64
VOCAB = 1000000
N = T * B
NC = 2
NS = 16
NW = NC * NS
NPW = N // NW
CHUNK = 512
NCHUNK = NPW // CHUNK
NSTEP = NCHUNK // 2

_mesh = plsc.VectorSubcoreMesh(core_axis_name="c", subcore_axis_name="s")


@functools.partial(
    pl.kernel,
    out_type=jax.ShapeDtypeStruct((T, B, 2 * D), jnp.float32),
    mesh=_mesh,
    scratch_types=[
        pltpu.VMEM((CHUNK,), jnp.int32),
        pltpu.VMEM((CHUNK,), jnp.int32),
        pltpu.VMEM((CHUNK, D), jnp.float32),
        pltpu.VMEM((CHUNK, D), jnp.float32),
        pltpu.SemaphoreType.DMA,
        pltpu.SemaphoreType.DMA,
        pltpu.SemaphoreType.DMA,
        pltpu.SemaphoreType.DMA,
        pltpu.SemaphoreType.DMA,
        pltpu.SemaphoreType.DMA,
    ],
    compiler_params=pltpu.CompilerParams(
        use_tc_tiling_on_sc=False, needs_layout_passes=False),
)
def _gather_kernel(idx_hbm, table_hbm, out_hbm, idx0, idx1, rows0, rows1,
                   isem0, isem1, gsem0, gsem1, wsem0, wsem1):
    wid = lax.axis_index("s") * NC + lax.axis_index("c")
    base = wid * NPW

    def start_idx(buf, sem, chunk):
        off = base + lax.min(chunk, NCHUNK - 1) * CHUNK
        pltpu.async_copy(idx_hbm.at[pl.ds(off, CHUNK)], buf, sem)

    def wait_idx(buf, sem):
        pltpu.make_async_copy(idx_hbm.at[pl.ds(base, CHUNK)], buf, sem).wait()

    def start_gather(ibuf, rbuf, sem):
        return pltpu.async_copy(table_hbm.at[ibuf], rbuf, sem)

    def start_wb(rbuf, sem, chunk):
        off = base + chunk * CHUNK
        t = off // B
        b = off % B
        pltpu.async_copy(rbuf, out_hbm.at[t, pl.ds(b, CHUNK), pl.ds(0, D)],
                         sem)

    def wait_wb(rbuf, sem):
        pltpu.make_async_copy(
            rbuf, out_hbm.at[0, pl.ds(0, CHUNK), pl.ds(0, D)], sem).wait()

    start_idx(idx0, isem0, 0)
    start_idx(idx1, isem1, 1)
    wait_idx(idx0, isem0)
    g0 = start_gather(idx0, rows0, gsem0)
    wait_idx(idx1, isem1)
    g1 = start_gather(idx1, rows1, gsem1)
    g0.wait()
    start_wb(rows0, wsem0, 0)
    start_idx(idx0, isem0, 2)
    g1.wait()
    start_wb(rows1, wsem1, 1)
    start_idx(idx1, isem1, 3)

    def body(s, carry):
        c0 = 2 * s
        wait_idx(idx0, isem0)
        wait_wb(rows0, wsem0)
        d0 = start_gather(idx0, rows0, gsem0)
        wait_idx(idx1, isem1)
        wait_wb(rows1, wsem1)
        d1 = start_gather(idx1, rows1, gsem1)
        d0.wait()
        start_wb(rows0, wsem0, c0)
        start_idx(idx0, isem0, c0 + 2)
        d1.wait()
        start_wb(rows1, wsem1, c0 + 1)
        start_idx(idx1, isem1, c0 + 3)
        return carry

    lax.fori_loop(1, NSTEP, body, 0)

    wait_wb(rows0, wsem0)
    wait_wb(rows1, wsem1)
    wait_idx(idx0, isem0)
    wait_idx(idx1, isem1)


def kernel(x, table):
    flat = x.reshape(-1)
    out128 = _gather_kernel(flat, table)
    return out128[:, :, :D]

# --- scband reference (transcript-rebuilt; emitter-appended) ---
"""Pipeline reference for scband-word-emb-lookup-55405078119113 (READ-ONLY COPY).

The authoritative reference and input builder live on the scoring server;
editing this copy changes nothing except your own understanding.
"""

import jax, jax.numpy as jnp
import numpy as np

VOCAB = 1000000
EMBED_DIM = 64
T = 200
B = 4096


def setup_inputs(seed: int = 0) -> dict:
    key = jax.random.key(seed)
    k1, k2 = jax.random.split(key)
    x = jax.random.randint(k1, (T, B), 0, VOCAB, dtype=jnp.int32)
    # learned parameter: embedding table initialized from 'initial_embeddings'
    table = jax.random.normal(k2, (VOCAB, EMBED_DIM), dtype=jnp.float32) * 0.02
    return {"x": x, "table": table}


def reference(x, table):
    # WordEmbLookup.forward: x is [T, B] (or [T, B, 1]); output [T, B, K].
    # nn.Embedding lookup == row gather from the table.
    assert x.ndim == 2 or (x.ndim == 3 and x.shape[2] == 1)
    embedded = jnp.take(table, x, axis=0)
    if embedded.ndim > 3:
        embedded = jnp.squeeze(embedded, axis=2)
    return embedded

if __name__ == "__main__":
    import jax
    _d = setup_inputs()
    print(jax.jit(kernel)(*tuple(_d.values())))

</pallas_src>

<mosaic_0001>
#map = affine_map<(d0, d1) -> (0)>
#map1 = affine_map<(d0, d1) -> (0, 0)>
#map2 = affine_map<(d0, d1) -> (0, 0, 0)>
module attributes {stable_mosaic.version = 14 : i64} {
  func.func @_gather_kernel(%arg0: i32, %arg1: i32, %arg2: memref<819200xi32, #tpu.memory_space<hbm>>, %arg3: memref<1000000x64xf32, #tpu.memory_space<hbm>>, %arg4: memref<200x4096x128xf32, #tpu.memory_space<hbm>>, %arg5: memref<512xi32, #tpu.memory_space<vmem>>, %arg6: memref<512xi32, #tpu.memory_space<vmem>>, %arg7: memref<512x64xf32, #tpu.memory_space<vmem>>, %arg8: memref<512x64xf32, #tpu.memory_space<vmem>>, %arg9: memref<!tpu.dma_semaphore, #tpu.memory_space<semaphore_mem>>, %arg10: memref<!tpu.dma_semaphore, #tpu.memory_space<semaphore_mem>>, %arg11: memref<!tpu.dma_semaphore, #tpu.memory_space<semaphore_mem>>, %arg12: memref<!tpu.dma_semaphore, #tpu.memory_space<semaphore_mem>>, %arg13: memref<!tpu.dma_semaphore, #tpu.memory_space<semaphore_mem>>, %arg14: memref<!tpu.dma_semaphore, #tpu.memory_space<semaphore_mem>>) attributes {dimension_semantics = [#tpu.dimension_semantics<core_parallel>, #tpu.dimension_semantics<subcore_parallel>], iteration_bounds = array<i64: 2, 16>, scalar_prefetch = 0 : i64, scratch_operands = 10 : i64, tpu.core_type = #tpu.core_type<sc_vector_subcore>, window_params = [{transform_indices = #map}, {transform_indices = #map1}, {transform_indices = #map2}]} {
    %mul3A = arith.constant 2 : i32
    %mul3A_0 = arith.muli %arg1, %mul3A : i32
    %add3A = arith.addi %mul3A_0, %arg0 : i32
    %mul3A_1 = arith.constant 25600 : i32
    %mul3A_2 = arith.muli %add3A, %mul3A_1 : i32
    %min3A = arith.constant 0 : i32
    %min3A_3 = arith.constant 49 : i32
    %min3A_4 = arith.minsi %min3A, %min3A_3 : i32
    %mul3A_5 = arith.constant 512 : i32
    %mul3A_6 = arith.muli %min3A_4, %mul3A_5 : i32
    %add3A_7 = arith.addi %mul3A_2, %mul3A_6 : i32
    %dma_start3A = tpu.memref_slice %arg2[%add3A_7] : memref<819200xi32, #tpu.memory_space<hbm>> -> memref<512xi32, #tpu.memory_space<hbm>>
    %dma_start3A_8 = tpu.memref_slice %arg2[%add3A_7] : memref<819200xi32, #tpu.memory_space<hbm>> -> memref<512xi32, #tpu.memory_space<hbm>>
    tpu.enqueue_dma source(%dma_start3A_8 : memref<512xi32, #tpu.memory_space<hbm>>) target(%arg5 : memref<512xi32, #tpu.memory_space<vmem>>) target_semaphore(%arg9 : memref<!tpu.dma_semaphore, #tpu.memory_space<semaphore_mem>>)
    %min3A_9 = arith.constant 1 : i32
    %min3A_10 = arith.constant 49 : i32
    %min3A_11 = arith.minsi %min3A_9, %min3A_10 : i32
    %mul3A_12 = arith.constant 512 : i32
    %mul3A_13 = arith.muli %min3A_11, %mul3A_12 : i32
    %add3A_14 = arith.addi %mul3A_2, %mul3A_13 : i32
    %dma_start3A_15 = tpu.memref_slice %arg2[%add3A_14] : memref<819200xi32, #tpu.memory_space<hbm>> -> memref<512xi32, #tpu.memory_space<hbm>>
    %dma_start3A_16 = tpu.memref_slice %arg2[%add3A_14] : memref<819200xi32, #tpu.memory_space<hbm>> -> memref<512xi32, #tpu.memory_space<hbm>>
    tpu.enqueue_dma source(%dma_start3A_16 : memref<512xi32, #tpu.memory_space<hbm>>) target(%arg6 : memref<512xi32, #tpu.memory_space<vmem>>) target_semaphore(%arg10 : memref<!tpu.dma_semaphore, #tpu.memory_space<semaphore_mem>>)
    %dma_wait3A = tpu.memref_slice %arg2[%mul3A_2] : memref<819200xi32, #tpu.memory_space<hbm>> -> memref<512xi32, #tpu.memory_space<hbm>>
    %dma_wait3A_17 = tpu.memref_slice %arg2[%mul3A_2] : memref<819200xi32, #tpu.memory_space<hbm>> -> memref<512xi32, #tpu.memory_space<hbm>>
    tpu.wait_dma2 semaphore(%arg9 : memref<!tpu.dma_semaphore, #tpu.memory_space<semaphore_mem>>) src(%dma_wait3A_17 : memref<512xi32, #tpu.memory_space<hbm>>) dst(%arg5 : memref<512xi32, #tpu.memory_space<vmem>>)
    %dma_start3A_18 = arith.constant 0 : i32
    %dma_start3A_19 = arith.constant 0 : i32
    %dma_start3A_20 = tpu.memref_slice %arg3[%dma_start3A_18, %dma_start3A_19] : memref<1000000x64xf32, #tpu.memory_space<hbm>> -> memref<1000000x64xf32, #tpu.memory_space<hbm>>
    tpu.enqueue_indirect_dma source(%dma_start3A_20 : memref<1000000x64xf32, #tpu.memory_space<hbm>>) target(%arg7 : memref<512x64xf32, #tpu.memory_space<vmem>>) offsets(%arg5 : memref<512xi32, #tpu.memory_space<vmem>>) semaphore(%arg11 : memref<!tpu.dma_semaphore, #tpu.memory_space<semaphore_mem>>)
    %dma_wait3A_21 = tpu.memref_slice %arg2[%mul3A_2] : memref<819200xi32, #tpu.memory_space<hbm>> -> memref<512xi32, #tpu.memory_space<hbm>>
    %dma_wait3A_22 = tpu.memref_slice %arg2[%mul3A_2] : memref<819200xi32, #tpu.memory_space<hbm>> -> memref<512xi32, #tpu.memory_space<hbm>>
    tpu.wait_dma2 semaphore(%arg10 : memref<!tpu.dma_semaphore, #tpu.memory_space<semaphore_mem>>) src(%dma_wait3A_22 : memref<512xi32, #tpu.memory_space<hbm>>) dst(%arg6 : memref<512xi32, #tpu.memory_space<vmem>>)
    %dma_start3A_23 = arith.constant 0 : i32
    %dma_start3A_24 = arith.constant 0 : i32
    %dma_start3A_25 = tpu.memref_slice %arg3[%dma_start3A_23, %dma_start3A_24] : memref<1000000x64xf32, #tpu.memory_space<hbm>> -> memref<1000000x64xf32, #tpu.memory_space<hbm>>
    tpu.enqueue_indirect_dma source(%dma_start3A_25 : memref<1000000x64xf32, #tpu.memory_space<hbm>>) target(%arg8 : memref<512x64xf32, #tpu.memory_space<vmem>>) offsets(%arg6 : memref<512xi32, #tpu.memory_space<vmem>>) semaphore(%arg12 : memref<!tpu.dma_semaphore, #tpu.memory_space<semaphore_mem>>)
    %dma_wait3A_26 = arith.constant 0 : i32
    %dma_wait3A_27 = arith.constant 0 : i32
    %dma_wait3A_28 = tpu.memref_slice %arg3[%dma_wait3A_26, %dma_wait3A_27] : memref<1000000x64xf32, #tpu.memory_space<hbm>> -> memref<1000000x64xf32, #tpu.memory_space<hbm>>
    tpu.wait_indirect_dma semaphore(%arg11 : memref<!tpu.dma_semaphore, #tpu.memory_space<semaphore_mem>>) src(%dma_wait3A_28 : memref<1000000x64xf32, #tpu.memory_space<hbm>>) dst(%arg7 : memref<512x64xf32, #tpu.memory_space<vmem>>)
    %add3A_29 = arith.constant 0 : i32
    %add3A_30 = arith.addi %mul3A_2, %add3A_29 : i32
    %jit3A = arith.constant 4096 : i32
    %div3A = arith.divsi %add3A_30, %jit3A : i32
    %sign3A = arith.constant 0 : i32
    %sign3A_31 = arith.cmpi sgt, %add3A_30, %sign3A : i32
    %sign3A_32 = arith.extui %sign3A_31 : i1 to i32
    %sign3A_33 = arith.constant 0 : i32
    %sign3A_34 = arith.cmpi slt, %add3A_30, %sign3A_33 : i32
    %sign3A_35 = arith.extui %sign3A_34 : i1 to i32
    %sign3A_36 = arith.subi %sign3A_32, %sign3A_35 : i32
    %sign3A_37 = arith.constant 0 : i32
    %sign3A_38 = arith.cmpi sgt, %jit3A, %sign3A_37 : i32
    %sign3A_39 = arith.extui %sign3A_38 : i1 to i32
    %sign3A_40 = arith.constant 0 : i32
    %sign3A_41 = arith.cmpi slt, %jit3A, %sign3A_40 : i32
    %sign3A_42 = arith.extui %sign3A_41 : i1 to i32
    %sign3A_43 = arith.subi %sign3A_39, %sign3A_42 : i32
    %ne3A = arith.cmpi ne, %sign3A_36, %sign3A_43 : i32
    %rem3A = arith.remsi %add3A_30, %jit3A : i32
    %ne3A_44 = arith.constant 0 : i32
    %ne3A_45 = arith.cmpi ne, %rem3A, %ne3A_44 : i32
    %and3A = arith.andi %ne3A, %ne3A_45 : i1
    %sub3A = arith.constant 1 : i32
    %sub3A_46 = arith.subi %div3A, %sub3A : i32
    %select_n3A = arith.select %and3A, %sub3A_46, %div3A : i32
    %jit3A_47 = arith.constant 4096 : i32
    %eq3A = arith.constant 0 : i32
    %eq3A_48 = arith.cmpi eq, %jit3A_47, %eq3A : i32
    %jit3A_49 = arith.constant 1 : i32
    %select_n3A_50 = arith.select %eq3A_48, %jit3A_49, %jit3A_47 : i32
    %rem3A_51 = arith.remsi %add3A_30, %select_n3A_50 : i32
    %ne3A_52 = arith.constant 0 : i32
    %ne3A_53 = arith.cmpi ne, %rem3A_51, %ne3A_52 : i32
    %lt3A = arith.constant 0 : i32
    %lt3A_54 = arith.cmpi slt, %rem3A_51, %lt3A : i32
    %lt3A_55 = arith.constant 0 : i32
    %lt3A_56 = arith.cmpi slt, %select_n3A_50, %lt3A_55 : i32
    %ne3A_57 = arith.xori %lt3A_54, %lt3A_56 : i1
    %and3A_58 = arith.andi %ne3A_57, %ne3A_53 : i1
    %add3A_59 = arith.addi %rem3A_51, %select_n3A_50 : i32
    %select_n3A_60 = arith.select %and3A_58, %add3A_59, %rem3A_51 : i32
    %dma_start3A_61 = arith.constant 0 : i32
    %dma_start3A_62 = tpu.memref_slice %arg4[%select_n3A, %select_n3A_60, %dma_start3A_61] : memref<200x4096x128xf32, #tpu.memory_space<hbm>> -> memref<1x512x64xf32, #tpu.memory_space<hbm>>
    %dma_start3A_63 = tpu.memref_squeeze %dma_start3A_62 : memref<1x512x64xf32, #tpu.memory_space<hbm>> -> memref<512x64xf32, #tpu.memory_space<hbm>>
    %dma_start3A_64 = arith.constant 0 : i32
    %dma_start3A_65 = tpu.memref_slice %arg4[%select_n3A, %select_n3A_60, %dma_start3A_64] : memref<200x4096x128xf32, #tpu.memory_space<hbm>> -> memref<1x512x64xf32, #tpu.memory_space<hbm>>
    %dma_start3A_66 = tpu.memref_squeeze %dma_start3A_65 : memref<1x512x64xf32, #tpu.memory_space<hbm>> -> memref<512x64xf32, #tpu.memory_space<hbm>>
    tpu.enqueue_dma source(%arg7 : memref<512x64xf32, #tpu.memory_space<vmem>>) target(%dma_start3A_66 : memref<512x64xf32, #tpu.memory_space<hbm>>) target_semaphore(%arg13 : memref<!tpu.dma_semaphore, #tpu.memory_space<semaphore_mem>>)
    %min3A_67 = arith.constant 2 : i32
    %min3A_68 = arith.constant 49 : i32
    %min3A_69 = arith.minsi %min3A_67, %min3A_68 : i32
    %mul3A_70 = arith.constant 512 : i32
    %mul3A_71 = arith.muli %min3A_69, %mul3A_70 : i32
    %add3A_72 = arith.addi %mul3A_2, %mul3A_71 : i32
    %dma_start3A_73 = tpu.memref_slice %arg2[%add3A_72] : memref<819200xi32, #tpu.memory_space<hbm>> -> memref<512xi32, #tpu.memory_space<hbm>>
    %dma_start3A_74 = tpu.memref_slice %arg2[%add3A_72] : memref<819200xi32, #tpu.memory_space<hbm>> -> memref<512xi32, #tpu.memory_space<hbm>>
    tpu.enqueue_dma source(%dma_start3A_74 : memref<512xi32, #tpu.memory_space<hbm>>) target(%arg5 : memref<512xi32, #tpu.memory_space<vmem>>) target_semaphore(%arg9 : memref<!tpu.dma_semaphore, #tpu.memory_space<semaphore_mem>>)
    %dma_wait3A_75 = arith.constant 0 : i32
    %dma_wait3A_76 = arith.constant 0 : i32
    %dma_wait3A_77 = tpu.memref_slice %arg3[%dma_wait3A_75, %dma_wait3A_76] : memref<1000000x64xf32, #tpu.memory_space<hbm>> -> memref<1000000x64xf32, #tpu.memory_space<hbm>>
    tpu.wait_indirect_dma semaphore(%arg12 : memref<!tpu.dma_semaphore, #tpu.memory_space<semaphore_mem>>) src(%dma_wait3A_77 : memref<1000000x64xf32, #tpu.memory_space<hbm>>) dst(%arg8 : memref<512x64xf32, #tpu.memory_space<vmem>>)
    %add3A_78 = arith.constant 512 : i32
    %add3A_79 = arith.addi %mul3A_2, %add3A_78 : i32
    %jit3A_80 = arith.constant 4096 : i32
    %div3A_81 = arith.divsi %add3A_79, %jit3A_80 : i32
    %sign3A_82 = arith.constant 0 : i32
    %sign3A_83 = arith.cmpi sgt, %add3A_79, %sign3A_82 : i32
    %sign3A_84 = arith.extui %sign3A_83 : i1 to i32
    %sign3A_85 = arith.constant 0 : i32
    %sign3A_86 = arith.cmpi slt, %add3A_79, %sign3A_85 : i32
    %sign3A_87 = arith.extui %sign3A_86 : i1 to i32
    %sign3A_88 = arith.subi %sign3A_84, %sign3A_87 : i32
    %sign3A_89 = arith.constant 0 : i32
    %sign3A_90 = arith.cmpi sgt, %jit3A_80, %sign3A_89 : i32
    %sign3A_91 = arith.extui %sign3A_90 : i1 to i32
    %sign3A_92 = arith.constant 0 : i32
    %sign3A_93 = arith.cmpi slt, %jit3A_80, %sign3A_92 : i32
    %sign3A_94 = arith.extui %sign3A_93 : i1 to i32
    %sign3A_95 = arith.subi %sign3A_91, %sign3A_94 : i32
    %ne3A_96 = arith.cmpi ne, %sign3A_88, %sign3A_95 : i32
    %rem3A_97 = arith.remsi %add3A_79, %jit3A_80 : i32
    %ne3A_98 = arith.constant 0 : i32
    %ne3A_99 = arith.cmpi ne, %rem3A_97, %ne3A_98 : i32
    %and3A_100 = arith.andi %ne3A_96, %ne3A_99 : i1
    %sub3A_101 = arith.constant 1 : i32
    %sub3A_102 = arith.subi %div3A_81, %sub3A_101 : i32
    %select_n3A_103 = arith.select %and3A_100, %sub3A_102, %div3A_81 : i32
    %jit3A_104 = arith.constant 4096 : i32
    %eq3A_105 = arith.constant 0 : i32
    %eq3A_106 = arith.cmpi eq, %jit3A_104, %eq3A_105 : i32
    %jit3A_107 = arith.constant 1 : i32
    %select_n3A_108 = arith.select %eq3A_106, %jit3A_107, %jit3A_104 : i32
    %rem3A_109 = arith.remsi %add3A_79, %select_n3A_108 : i32
    %ne3A_110 = arith.constant 0 : i32
    %ne3A_111 = arith.cmpi ne, %rem3A_109, %ne3A_110 : i32
    %lt3A_112 = arith.constant 0 : i32
    %lt3A_113 = arith.cmpi slt, %rem3A_109, %lt3A_112 : i32
    %lt3A_114 = arith.constant 0 : i32
    %lt3A_115 = arith.cmpi slt, %select_n3A_108, %lt3A_114 : i32
    %ne3A_116 = arith.xori %lt3A_113, %lt3A_115 : i1
    %and3A_117 = arith.andi %ne3A_116, %ne3A_111 : i1
    %add3A_118 = arith.addi %rem3A_109, %select_n3A_108 : i32
    %select_n3A_119 = arith.select %and3A_117, %add3A_118, %rem3A_109 : i32
    %dma_start3A_120 = arith.constant 0 : i32
    %dma_start3A_121 = tpu.memref_slice %arg4[%select_n3A_103, %select_n3A_119, %dma_start3A_120] : memref<200x4096x128xf32, #tpu.memory_space<hbm>> -> memref<1x512x64xf32, #tpu.memory_space<hbm>>
    %dma_start3A_122 = tpu.memref_squeeze %dma_start3A_121 : memref<1x512x64xf32, #tpu.memory_space<hbm>> -> memref<512x64xf32, #tpu.memory_space<hbm>>
    %dma_start3A_123 = arith.constant 0 : i32
    %dma_start3A_124 = tpu.memref_slice %arg4[%select_n3A_103, %select_n3A_119, %dma_start3A_123] : memref<200x4096x128xf32, #tpu.memory_space<hbm>> -> memref<1x512x64xf32, #tpu.memory_space<hbm>>
    %dma_start3A_125 = tpu.memref_squeeze %dma_start3A_124 : memref<1x512x64xf32, #tpu.memory_space<hbm>> -> memref<512x64xf32, #tpu.memory_space<hbm>>
    tpu.enqueue_dma source(%arg8 : memref<512x64xf32, #tpu.memory_space<vmem>>) target(%dma_start3A_125 : memref<512x64xf32, #tpu.memory_space<hbm>>) target_semaphore(%arg14 : memref<!tpu.dma_semaphore, #tpu.memory_space<semaphore_mem>>)
    %min3A_126 = arith.constant 3 : i32
    %min3A_127 = arith.constant 49 : i32
    %min3A_128 = arith.minsi %min3A_126, %min3A_127 : i32
    %mul3A_129 = arith.constant 512 : i32
    %mul3A_130 = arith.muli %min3A_128, %mul3A_129 : i32
    %add3A_131 = arith.addi %mul3A_2, %mul3A_130 : i32
    %dma_start3A_132 = tpu.memref_slice %arg2[%add3A_131] : memref<819200xi32, #tpu.memory_space<hbm>> -> memref<512xi32, #tpu.memory_space<hbm>>
    %dma_start3A_133 = tpu.memref_slice %arg2[%add3A_131] : memref<819200xi32, #tpu.memory_space<hbm>> -> memref<512xi32, #tpu.memory_space<hbm>>
    tpu.enqueue_dma source(%dma_start3A_133 : memref<512xi32, #tpu.memory_space<hbm>>) target(%arg6 : memref<512xi32, #tpu.memory_space<vmem>>) target_semaphore(%arg10 : memref<!tpu.dma_semaphore, #tpu.memory_space<semaphore_mem>>)
    %scan3A = arith.constant 0 : i32
    %scan3A_134 = arith.constant 1 : i32
    %scan3A_135 = arith.constant 24 : i32
    %scan3A_136 = arith.addi %scan3A_134, %scan3A_135 : i32
    %scan3A_137 = arith.constant 1 : i32
    scf.for %scan3A_161 = %scan3A_134 to %scan3A_136 step %scan3A_137  : i32 {
      %mul3A_162 = arith.constant 2 : i32
      %mul3A_163 = arith.muli %mul3A_162, %scan3A_161 : i32
      %dma_wait3A_164 = tpu.memref_slice %arg2[%mul3A_2] : memref<819200xi32, #tpu.memory_space<hbm>> -> memref<512xi32, #tpu.memory_space<hbm>>
      %dma_wait3A_165 = tpu.memref_slice %arg2[%mul3A_2] : memref<819200xi32, #tpu.memory_space<hbm>> -> memref<512xi32, #tpu.memory_space<hbm>>
      tpu.wait_dma2 semaphore(%arg9 : memref<!tpu.dma_semaphore, #tpu.memory_space<semaphore_mem>>) src(%dma_wait3A_165 : memref<512xi32, #tpu.memory_space<hbm>>) dst(%arg5 : memref<512xi32, #tpu.memory_space<vmem>>)
      %dma_wait3A_166 = arith.constant 0 : i32
      %dma_wait3A_167 = arith.constant 0 : i32
      %dma_wait3A_168 = arith.constant 0 : i32
      %dma_wait3A_169 = tpu.memref_slice %arg4[%dma_wait3A_166, %dma_wait3A_167, %dma_wait3A_168] : memref<200x4096x128xf32, #tpu.memory_space<hbm>> -> memref<1x512x64xf32, #tpu.memory_space<hbm>>
      %dma_wait3A_170 = tpu.memref_squeeze %dma_wait3A_169 : memref<1x512x64xf32, #tpu.memory_space<hbm>> -> memref<512x64xf32, #tpu.memory_space<hbm>>
      %dma_wait3A_171 = arith.constant 0 : i32
      %dma_wait3A_172 = arith.constant 0 : i32
      %dma_wait3A_173 = tpu.memref_slice %arg4[%dma_wait3A_166, %dma_wait3A_171, %dma_wait3A_172] : memref<200x4096x128xf32, #tpu.memory_space<hbm>> -> memref<1x512x64xf32, #tpu.memory_space<hbm>>
      %dma_wait3A_174 = tpu.memref_squeeze %dma_wait3A_173 : memref<1x512x64xf32, #tpu.memory_space<hbm>> -> memref<512x64xf32, #tpu.memory_space<hbm>>
      tpu.wait_dma2 semaphore(%arg13 : memref<!tpu.dma_semaphore, #tpu.memory_space<semaphore_mem>>) src(%arg7 : memref<512x64xf32, #tpu.memory_space<vmem>>) dst(%dma_wait3A_174 : memref<512x64xf32, #tpu.memory_space<hbm>>)
      %dma_start3A_175 = arith.constant 0 : i32
      %dma_start3A_176 = arith.constant 0 : i32
      %dma_start3A_177 = tpu.memref_slice %arg3[%dma_start3A_175, %dma_start3A_176] : memref<1000000x64xf32, #tpu.memory_space<hbm>> -> memref<1000000x64xf32, #tpu.memory_space<hbm>>
      tpu.enqueue_indirect_dma source(%dma_start3A_177 : memref<1000000x64xf32, #tpu.memory_space<hbm>>) target(%arg7 : memref<512x64xf32, #tpu.memory_space<vmem>>) offsets(%arg5 : memref<512xi32, #tpu.memory_space<vmem>>) semaphore(%arg11 : memref<!tpu.dma_semaphore, #tpu.memory_space<semaphore_mem>>)
      %dma_wait3A_178 = tpu.memref_slice %arg2[%mul3A_2] : memref<819200xi32, #tpu.memory_space<hbm>> -> memref<512xi32, #tpu.memory_space<hbm>>
      %dma_wait3A_179 = tpu.memref_slice %arg2[%mul3A_2] : memref<819200xi32, #tpu.memory_space<hbm>> -> memref<512xi32, #tpu.memory_space<hbm>>
      tpu.wait_dma2 semaphore(%arg10 : memref<!tpu.dma_semaphore, #tpu.memory_space<semaphore_mem>>) src(%dma_wait3A_179 : memref<512xi32, #tpu.memory_space<hbm>>) dst(%arg6 : memref<512xi32, #tpu.memory_space<vmem>>)
      %dma_wait3A_180 = arith.constant 0 : i32
      %dma_wait3A_181 = arith.constant 0 : i32
      %dma_wait3A_182 = arith.constant 0 : i32
      %dma_wait3A_183 = tpu.memref_slice %arg4[%dma_wait3A_180, %dma_wait3A_181, %dma_wait3A_182] : memref<200x4096x128xf32, #tpu.memory_space<hbm>> -> memref<1x512x64xf32, #tpu.memory_space<hbm>>
      %dma_wait3A_184 = tpu.memref_squeeze %dma_wait3A_183 : memref<1x512x64xf32, #tpu.memory_space<hbm>> -> memref<512x64xf32, #tpu.memory_space<hbm>>
      %dma_wait3A_185 = arith.constant 0 : i32
      %dma_wait3A_186 = arith.constant 0 : i32
      %dma_wait3A_187 = tpu.memref_slice %arg4[%dma_wait3A_180, %dma_wait3A_185, %dma_wait3A_186] : memref<200x4096x128xf32, #tpu.memory_space<hbm>> -> memref<1x512x64xf32, #tpu.memory_space<hbm>>
      %dma_wait3A_188 = tpu.memref_squeeze %dma_wait3A_187 : memref<1x512x64xf32, #tpu.memory_space<hbm>> -> memref<512x64xf32, #tpu.memory_space<hbm>>
      tpu.wait_dma2 semaphore(%arg14 : memref<!tpu.dma_semaphore, #tpu.memory_space<semaphore_mem>>) src(%arg8 : memref<512x64xf32, #tpu.memory_space<vmem>>) dst(%dma_wait3A_188 : memref<512x64xf32, #tpu.memory_space<hbm>>)
      %dma_start3A_189 = arith.constant 0 : i32
      %dma_start3A_190 = arith.constant 0 : i32
      %dma_start3A_191 = tpu.memref_slice %arg3[%dma_start3A_189, %dma_start3A_190] : memref<1000000x64xf32, #tpu.memory_space<hbm>> -> memref<1000000x64xf32, #tpu.memory_space<hbm>>
      tpu.enqueue_indirect_dma source(%dma_start3A_191 : memref<1000000x64xf32, #tpu.memory_space<hbm>>) target(%arg8 : memref<512x64xf32, #tpu.memory_space<vmem>>) offsets(%arg6 : memref<512xi32, #tpu.memory_space<vmem>>) semaphore(%arg12 : memref<!tpu.dma_semaphore, #tpu.memory_space<semaphore_mem>>)
      %dma_wait3A_192 = arith.constant 0 : i32
      %dma_wait3A_193 = arith.constant 0 : i32
      %dma_wait3A_194 = tpu.memref_slice %arg3[%dma_wait3A_192, %dma_wait3A_193] : memref<1000000x64xf32, #tpu.memory_space<hbm>> -> memref<1000000x64xf32, #tpu.memory_space<hbm>>
      tpu.wait_indirect_dma semaphore(%arg11 : memref<!tpu.dma_semaphore, #tpu.memory_space<semaphore_mem>>) src(%dma_wait3A_194 : memref<1000000x64xf32, #tpu.memory_space<hbm>>) dst(%arg7 : memref<512x64xf32, #tpu.memory_space<vmem>>)
      %mul3A_195 = arith.constant 512 : i32
      %mul3A_196 = arith.muli %mul3A_163, %mul3A_195 : i32
      %add3A_197 = arith.addi %mul3A_2, %mul3A_196 : i32
      %jit3A_198 = arith.constant 4096 : i32
      %div3A_199 = arith.divsi %add3A_197, %jit3A_198 : i32
      %sign3A_200 = arith.constant 0 : i32
      %sign3A_201 = arith.cmpi sgt, %add3A_197, %sign3A_200 : i32
      %sign3A_202 = arith.extui %sign3A_201 : i1 to i32
      %sign3A_203 = arith.constant 0 : i32
      %sign3A_204 = arith.cmpi slt, %add3A_197, %sign3A_203 : i32
      %sign3A_205 = arith.extui %sign3A_204 : i1 to i32
      %sign3A_206 = arith.subi %sign3A_202, %sign3A_205 : i32
      %sign3A_207 = arith.constant 0 : i32
      %sign3A_208 = arith.cmpi sgt, %jit3A_198, %sign3A_207 : i32
      %sign3A_209 = arith.extui %sign3A_208 : i1 to i32
      %sign3A_210 = arith.constant 0 : i32
      %sign3A_211 = arith.cmpi slt, %jit3A_198, %sign3A_210 : i32
      %sign3A_212 = arith.extui %sign3A_211 : i1 to i32
      %sign3A_213 = arith.subi %sign3A_209, %sign3A_212 : i32
      %ne3A_214 = arith.cmpi ne, %sign3A_206, %sign3A_213 : i32
      %rem3A_215 = arith.remsi %add3A_197, %jit3A_198 : i32
      %ne3A_216 = arith.constant 0 : i32
      %ne3A_217 = arith.cmpi ne, %rem3A_215, %ne3A_216 : i32
      %and3A_218 = arith.andi %ne3A_214, %ne3A_217 : i1
      %sub3A_219 = arith.constant 1 : i32
      %sub3A_220 = arith.subi %div3A_199, %sub3A_219 : i32
      %select_n3A_221 = arith.select %and3A_218, %sub3A_220, %div3A_199 : i32
      %jit3A_222 = arith.constant 4096 : i32
      %eq3A_223 = arith.constant 0 : i32
      %eq3A_224 = arith.cmpi eq, %jit3A_222, %eq3A_223 : i32
      %jit3A_225 = arith.constant 1 : i32
      %select_n3A_226 = arith.select %eq3A_224, %jit3A_225, %jit3A_222 : i32
      %rem3A_227 = arith.remsi %add3A_197, %select_n3A_226 : i32
      %ne3A_228 = arith.constant 0 : i32
      %ne3A_229 = arith.cmpi ne, %rem3A_227, %ne3A_228 : i32
      %lt3A_230 = arith.constant 0 : i32
      %lt3A_231 = arith.cmpi slt, %rem3A_227, %lt3A_230 : i32
      %lt3A_232 = arith.constant 0 : i32
      %lt3A_233 = arith.cmpi slt, %select_n3A_226, %lt3A_232 : i32
      %ne3A_234 = arith.xori %lt3A_231, %lt3A_233 : i1
      %and3A_235 = arith.andi %ne3A_234, %ne3A_229 : i1
      %add3A_236 = arith.addi %rem3A_227, %select_n3A_226 : i32
      %select_n3A_237 = arith.select %and3A_235, %add3A_236, %rem3A_227 : i32
      %dma_start3A_238 = arith.constant 0 : i32
      %dma_start3A_239 = tpu.memref_slice %arg4[%select_n3A_221, %select_n3A_237, %dma_start3A_238] : memref<200x4096x128xf32, #tpu.memory_space<hbm>> -> memref<1x512x64xf32, #tpu.memory_space<hbm>>
      %dma_start3A_240 = tpu.memref_squeeze %dma_start3A_239 : memref<1x512x64xf32, #tpu.memory_space<hbm>> -> memref<512x64xf32, #tpu.memory_space<hbm>>
      %dma_start3A_241 = arith.constant 0 : i32
      %dma_start3A_242 = tpu.memref_slice %arg4[%select_n3A_221, %select_n3A_237, %dma_start3A_241] : memref<200x4096x128xf32, #tpu.memory_space<hbm>> -> memref<1x512x64xf32, #tpu.memory_space<hbm>>
      %dma_start3A_243 = tpu.memref_squeeze %dma_start3A_242 : memref<1x512x64xf32, #tpu.memory_space<hbm>> -> memref<512x64xf32, #tpu.memory_space<hbm>>
      tpu.enqueue_dma source(%arg7 : memref<512x64xf32, #tpu.memory_space<vmem>>) target(%dma_start3A_243 : memref<512x64xf32, #tpu.memory_space<hbm>>) target_semaphore(%arg13 : memref<!tpu.dma_semaphore, #tpu.memory_space<semaphore_mem>>)
      %add3A_244 = arith.constant 2 : i32
      %add3A_245 = arith.addi %mul3A_163, %add3A_244 : i32
      %min3A_246 = arith.constant 49 : i32
      %min3A_247 = arith.minsi %add3A_245, %min3A_246 : i32
      %mul3A_248 = arith.constant 512 : i32
      %mul3A_249 = arith.muli %min3A_247, %mul3A_248 : i32
      %add3A_250 = arith.addi %mul3A_2, %mul3A_249 : i32
      %dma_start3A_251 = tpu.memref_slice %arg2[%add3A_250] : memref<819200xi32, #tpu.memory_space<hbm>> -> memref<512xi32, #tpu.memory_space<hbm>>
      %dma_start3A_252 = tpu.memref_slice %arg2[%add3A_250] : memref<819200xi32, #tpu.memory_space<hbm>> -> memref<512xi32, #tpu.memory_space<hbm>>
      tpu.enqueue_dma source(%dma_start3A_252 : memref<512xi32, #tpu.memory_space<hbm>>) target(%arg5 : memref<512xi32, #tpu.memory_space<vmem>>) target_semaphore(%arg9 : memref<!tpu.dma_semaphore, #tpu.memory_space<semaphore_mem>>)
      %dma_wait3A_253 = arith.constant 0 : i32
      %dma_wait3A_254 = arith.constant 0 : i32
      %dma_wait3A_255 = tpu.memref_slice %arg3[%dma_wait3A_253, %dma_wait3A_254] : memref<1000000x64xf32, #tpu.memory_space<hbm>> -> memref<1000000x64xf32, #tpu.memory_space<hbm>>
      tpu.wait_indirect_dma semaphore(%arg12 : memref<!tpu.dma_semaphore, #tpu.memory_space<semaphore_mem>>) src(%dma_wait3A_255 : memref<1000000x64xf32, #tpu.memory_space<hbm>>) dst(%arg8 : memref<512x64xf32, #tpu.memory_space<vmem>>)
      %add3A_256 = arith.constant 1 : i32
      %add3A_257 = arith.addi %mul3A_163, %add3A_256 : i32
      %mul3A_258 = arith.constant 512 : i32
      %mul3A_259 = arith.muli %add3A_257, %mul3A_258 : i32
      %add3A_260 = arith.addi %mul3A_2, %mul3A_259 : i32
      %jit3A_261 = arith.constant 4096 : i32
      %div3A_262 = arith.divsi %add3A_260, %jit3A_261 : i32
      %sign3A_263 = arith.constant 0 : i32
      %sign3A_264 = arith.cmpi sgt, %add3A_260, %sign3A_263 : i32
      %sign3A_265 = arith.extui %sign3A_264 : i1 to i32
      %sign3A_266 = arith.constant 0 : i32
      %sign3A_267 = arith.cmpi slt, %add3A_260, %sign3A_266 : i32
      %sign3A_268 = arith.extui %sign3A_267 : i1 to i32
      %sign3A_269 = arith.subi %sign3A_265, %sign3A_268 : i32
      %sign3A_270 = arith.constant 0 : i32
      %sign3A_271 = arith.cmpi sgt, %jit3A_261, %sign3A_270 : i32
      %sign3A_272 = arith.extui %sign3A_271 : i1 to i32
      %sign3A_273 = arith.constant 0 : i32
      %sign3A_274 = arith.cmpi slt, %jit3A_261, %sign3A_273 : i32
      %sign3A_275 = arith.extui %sign3A_274 : i1 to i32
      %sign3A_276 = arith.subi %sign3A_272, %sign3A_275 : i32
      %ne3A_277 = arith.cmpi ne, %sign3A_269, %sign3A_276 : i32
      %rem3A_278 = arith.remsi %add3A_260, %jit3A_261 : i32
      %ne3A_279 = arith.constant 0 : i32
      %ne3A_280 = arith.cmpi ne, %rem3A_278, %ne3A_279 : i32
      %and3A_281 = arith.andi %ne3A_277, %ne3A_280 : i1
      %sub3A_282 = arith.constant 1 : i32
      %sub3A_283 = arith.subi %div3A_262, %sub3A_282 : i32
      %select_n3A_284 = arith.select %and3A_281, %sub3A_283, %div3A_262 : i32
      %jit3A_285 = arith.constant 4096 : i32
      %eq3A_286 = arith.constant 0 : i32
      %eq3A_287 = arith.cmpi eq, %jit3A_285, %eq3A_286 : i32
      %jit3A_288 = arith.constant 1 : i32
      %select_n3A_289 = arith.select %eq3A_287, %jit3A_288, %jit3A_285 : i32
      %rem3A_290 = arith.remsi %add3A_260, %select_n3A_289 : i32
      %ne3A_291 = arith.constant 0 : i32
      %ne3A_292 = arith.cmpi ne, %rem3A_290, %ne3A_291 : i32
      %lt3A_293 = arith.constant 0 : i32
      %lt3A_294 = arith.cmpi slt, %rem3A_290, %lt3A_293 : i32
      %lt3A_295 = arith.constant 0 : i32
      %lt3A_296 = arith.cmpi slt, %select_n3A_289, %lt3A_295 : i32
      %ne3A_297 = arith.xori %lt3A_294, %lt3A_296 : i1
      %and3A_298 = arith.andi %ne3A_297, %ne3A_292 : i1
      %add3A_299 = arith.addi %rem3A_290, %select_n3A_289 : i32
      %select_n3A_300 = arith.select %and3A_298, %add3A_299, %rem3A_290 : i32
      %dma_start3A_301 = arith.constant 0 : i32
      %dma_start3A_302 = tpu.memref_slice %arg4[%select_n3A_284, %select_n3A_300, %dma_start3A_301] : memref<200x4096x128xf32, #tpu.memory_space<hbm>> -> memref<1x512x64xf32, #tpu.memory_space<hbm>>
      %dma_start3A_303 = tpu.memref_squeeze %dma_start3A_302 : memref<1x512x64xf32, #tpu.memory_space<hbm>> -> memref<512x64xf32, #tpu.memory_space<hbm>>
      %dma_start3A_304 = arith.constant 0 : i32
      %dma_start3A_305 = tpu.memref_slice %arg4[%select_n3A_284, %select_n3A_300, %dma_start3A_304] : memref<200x4096x128xf32, #tpu.memory_space<hbm>> -> memref<1x512x64xf32, #tpu.memory_space<hbm>>
      %dma_start3A_306 = tpu.memref_squeeze %dma_start3A_305 : memref<1x512x64xf32, #tpu.memory_space<hbm>> -> memref<512x64xf32, #tpu.memory_space<hbm>>
      tpu.enqueue_dma source(%arg8 : memref<512x64xf32, #tpu.memory_space<vmem>>) target(%dma_start3A_306 : memref<512x64xf32, #tpu.memory_space<hbm>>) target_semaphore(%arg14 : memref<!tpu.dma_semaphore, #tpu.memory_space<semaphore_mem>>)
      %add3A_307 = arith.constant 3 : i32
      %add3A_308 = arith.addi %mul3A_163, %add3A_307 : i32
      %min3A_309 = arith.constant 49 : i32
      %min3A_310 = arith.minsi %add3A_308, %min3A_309 : i32
      %mul3A_311 = arith.constant 512 : i32
      %mul3A_312 = arith.muli %min3A_310, %mul3A_311 : i32
      %add3A_313 = arith.addi %mul3A_2, %mul3A_312 : i32
      %dma_start3A_314 = tpu.memref_slice %arg2[%add3A_313] : memref<819200xi32, #tpu.memory_space<hbm>> -> memref<512xi32, #tpu.memory_space<hbm>>
      %dma_start3A_315 = tpu.memref_slice %arg2[%add3A_313] : memref<819200xi32, #tpu.memory_space<hbm>> -> memref<512xi32, #tpu.memory_space<hbm>>
      tpu.enqueue_dma source(%dma_start3A_315 : memref<512xi32, #tpu.memory_space<hbm>>) target(%arg6 : memref<512xi32, #tpu.memory_space<vmem>>) target_semaphore(%arg10 : memref<!tpu.dma_semaphore, #tpu.memory_space<semaphore_mem>>)
    }
    %scan3A_138 = arith.constant 24 : i32
    %dma_wait3A_139 = arith.constant 0 : i32
    %dma_wait3A_140 = arith.constant 0 : i32
    %dma_wait3A_141 = arith.constant 0 : i32
    %dma_wait3A_142 = tpu.memref_slice %arg4[%dma_wait3A_139, %dma_wait3A_140, %dma_wait3A_141] : memref<200x4096x128xf32, #tpu.memory_space<hbm>> -> memref<1x512x64xf32, #tpu.memory_space<hbm>>
    %dma_wait3A_143 = tpu.memref_squeeze %dma_wait3A_142 : memref<1x512x64xf32, #tpu.memory_space<hbm>> -> memref<512x64xf32, #tpu.memory_space<hbm>>
    %dma_wait3A_144 = arith.constant 0 : i32
    %dma_wait3A_145 = arith.constant 0 : i32
    %dma_wait3A_146 = tpu.memref_slice %arg4[%dma_wait3A_139, %dma_wait3A_144, %dma_wait3A_145] : memref<200x4096x128xf32, #tpu.memory_space<hbm>> -> memref<1x512x64xf32, #tpu.memory_space<hbm>>
    %dma_wait3A_147 = tpu.memref_squeeze %dma_wait3A_146 : memref<1x512x64xf32, #tpu.memory_space<hbm>> -> memref<512x64xf32, #tpu.memory_space<hbm>>
    tpu.wait_dma2 semaphore(%arg13 : memref<!tpu.dma_semaphore, #tpu.memory_space<semaphore_mem>>) src(%arg7 : memref<512x64xf32, #tpu.memory_space<vmem>>) dst(%dma_wait3A_147 : memref<512x64xf32, #tpu.memory_space<hbm>>)
    %dma_wait3A_148 = arith.constant 0 : i32
    %dma_wait3A_149 = arith.constant 0 : i32
    %dma_wait3A_150 = arith.constant 0 : i32
    %dma_wait3A_151 = tpu.memref_slice %arg4[%dma_wait3A_148, %dma_wait3A_149, %dma_wait3A_150] : memref<200x4096x128xf32, #tpu.memory_space<hbm>> -> memref<1x512x64xf32, #tpu.memory_space<hbm>>
    %dma_wait3A_152 = tpu.memref_squeeze %dma_wait3A_151 : memref<1x512x64xf32, #tpu.memory_space<hbm>> -> memref<512x64xf32, #tpu.memory_space<hbm>>
    %dma_wait3A_153 = arith.constant 0 : i32
    %dma_wait3A_154 = arith.constant 0 : i32
    %dma_wait3A_155 = tpu.memref_slice %arg4[%dma_wait3A_148, %dma_wait3A_153, %dma_wait3A_154] : memref<200x4096x128xf32, #tpu.memory_space<hbm>> -> memref<1x512x64xf32, #tpu.memory_space<hbm>>
    %dma_wait3A_156 = tpu.memref_squeeze %dma_wait3A_155 : memref<1x512x64xf32, #tpu.memory_space<hbm>> -> memref<512x64xf32, #tpu.memory_space<hbm>>
    tpu.wait_dma2 semaphore(%arg14 : memref<!tpu.dma_semaphore, #tpu.memory_space<semaphore_mem>>) src(%arg8 : memref<512x64xf32, #tpu.memory_space<vmem>>) dst(%dma_wait3A_156 : memref<512x64xf32, #tpu.memory_space<hbm>>)
    %dma_wait3A_157 = tpu.memref_slice %arg2[%mul3A_2] : memref<819200xi32, #tpu.memory_space<hbm>> -> memref<512xi32, #tpu.memory_space<hbm>>
    %dma_wait3A_158 = tpu.memref_slice %arg2[%mul3A_2] : memref<819200xi32, #tpu.memory_space<hbm>> -> memref<512xi32, #tpu.memory_space<hbm>>
    tpu.wait_dma2 semaphore(%arg9 : memref<!tpu.dma_semaphore, #tpu.memory_space<semaphore_mem>>) src(%dma_wait3A_158 : memref<512xi32, #tpu.memory_space<hbm>>) dst(%arg5 : memref<512xi32, #tpu.memory_space<vmem>>)
    %dma_wait3A_159 = tpu.memref_slice %arg2[%mul3A_2] : memref<819200xi32, #tpu.memory_space<hbm>> -> memref<512xi32, #tpu.memory_space<hbm>>
    %dma_wait3A_160 = tpu.memref_slice %arg2[%mul3A_2] : memref<819200xi32, #tpu.memory_space<hbm>> -> memref<512xi32, #tpu.memory_space<hbm>>
    tpu.wait_dma2 semaphore(%arg10 : memref<!tpu.dma_semaphore, #tpu.memory_space<semaphore_mem>>) src(%dma_wait3A_160 : memref<512xi32, #tpu.memory_space<hbm>>) dst(%arg6 : memref<512xi32, #tpu.memory_space<vmem>>)
    return
  }
}

</mosaic_0001>

<sc_bundles>
// kernel: kernel.3.cloned.1.call-start
scs
__scs_entry_jumppad:
0x0: {  	(pc) =	sbr.rel $0x88, $3  }
0x1: {  	(tag) =	ssettag $0x0;
	lr =	simm.s32 $0x1  }
0x2: {  	[smem:$0x3F9F] =	sst lr;
	_ =	strace $0xD0000000  }
0x3: {  	_ = 	snop  }
0x4: {  	_ = 	snop  }
0x5: {  	_ = 	snop  }
0x6: {  	_ = 	snop  }
0x7: {  	_ = 	snop  }
__scs_overlays_trampoline_lowered:
0x8: {  	[smem:$0x3FAE] =	sst s0  }
0x9: {  	[smem:$0x3FAF] =	sst s1  }
0xa: {  	[smem:$0x3FB0] =	sst s2  }
0xb: {  	[smem:$0x3FB1] =	sst s3  }
0xc: {  	[smem:$0x3FB2] =	sst s4  }
0xd: {  	[smem:$0x3FB3] =	sst s5  }
0xe: {  	[smem:$0x3FB4] =	sst s6  }
0xf: {  	[smem:$0x3FB5] =	sst s7  }
0x10: {  	[smem:$0x3FB6] =	sst s8  }
0x11: {  	[smem:$0x3FB7] =	sst s9;
	s0 =	simm.s32 @!p0 $0x0  }
0x12: {  	s1 =	sld [smem:$0x3F9D];
	s0 =	simm.s32 @p0 $0x1  }
0x13: {  	[smem:$0x3FB8] =	sst s0;
	s0 =	simm.s32 @!p1 $0x0  }
0x14: {  	s2 =	sld [smem:$0x3F9C];
	s0 =	simm.s32 @p1 $0x1  }
0x15: {  	[smem:$0x3FB9] =	sst s0;
	s0 =	simm.s32 @!p2 $0x0  }
0x16: {  	s3 =	sld [smem:$0x3FDB];
	s0 =	simm.s32 @p2 $0x1  }
0x17: {  	s4 =	simm.s32 $0x1BF5;
	[smem:$0x3FBB] =	sst s0  }
0x18: {  	s0 =	sld [smem:$0x3F9E];
	_ =	swait.ge [sflag:s4], $0x0  }
0x19: {  	s7 =	sld [smem:$0x3F9F]  }
0x1a: {  	s8 =	sadd.s32 $0xFFFFE003, lr  }
0x1b: {  	s9 =	sadd.s32 $0xFFFFFEF7, lr;
	s5 =	simm.s32 $0xFFFFFFFF;
	p2 =	slt.u32 s8, $0xFFFFF086  }
0x1c: {  	p1 =	slt.u32 s9, $0xF7A;
	s5 =	simm.s32 @!p2 $0x0  }
0x1d: {  	s5 =	simm.s32 @p1 $0x1;
	p0 =	seq.s32 s7, s2  }
0x1e: {  	s7 =	smul.u32 @!p0 $0xF7A, s2;
	p2 =	seq.s32 @!p0 s5, $0x0  }
0x1f: {  	s9 =	smul.u32 $0xF7A, s1;
	s8 =	simm.s32 @!p0 $0x1BF5;
	p2 =	por !p2, p0  }
0x20: {  	[sflag:s8] =	ssyncset.s32 @!p0 $0xFFFFF086;
	s6 =	sadd.s32 @!p0 s3, s7;
	s7 =	simm.s32 @!p0 $0x108  }
0x21: {  	s3 =	sadd.s32 s3, s9;
	s6 =	sadd.s32 @!p0 $0x88, s6;
	s7 =	simm.s32 @p2 $0x1082  }
0x22: {  	[simem:s7], [sflag:s8] =	dma.local @!p0 [hbm:s6], $0xF7A  }
0x23: {  	s9 =	sor.u32 $0xD0000000, s2;
	s6 =	simm.s32 $0x108;
	_ =	swait.ge @!p0 [sflag:s8], $0x0  }
0x24: {  	s3 =	sadd.s32 $0x88, s3;
	s6 =	simm.s32 @!p1 $0x1082;
	[sflag:s4] =	ssyncset.s32 $0xFFFFF086  }
0x25: {  	[simem:s6], [sflag:s4] =	dma.local [hbm:s3], $0xF7A  }
0x26: {  	[smem:$0x3F9F] =	sst s1;
	(tag) =	ssettag s2;
	_ =	strace s9  }
0x27: {  	s1 =	sld [smem:$0x3FAF]  }
0x28: {  	s2 =	sld [smem:$0x3FB0]  }
0x29: {  	s4 =	sld [smem:$0x3FB2]  }
0x2a: {  	p0 =	seq.s32 s5, $0x0;
	s5 =	sld [smem:$0x3FB3]  }
0x2b: {  	s6 =	sld [smem:$0x3FB4]  }
0x2c: {  	s7 =	sld [smem:$0x3FB5]  }
0x2d: {  	s3 =	simm.s32 $0x108;
	s8 =	sld [smem:$0x3FB6]  }
0x2e: {  	s3 =	simm.s32 @!p0 $0x1082;
	s9 =	sld [smem:$0x3FB7]  }
0x2f: {  	lr =	sadd.s32 s0, s3;
	s0 =	sld [smem:$0x3FAE]  }
0x30: {  	s3 =	sld [smem:$0x3FB1]  }
0x31: {  	[smem:$0x3FBA] =	sst s10  }
0x32: {  	s10 =	sld [smem:$0x3FB8];
	_ =	sdelay $0x3  }
0x33: {  	p0 =	seq.s32 s10, $0x1;
	s10 =	sld [smem:$0x3FBA];
	_ =	sdelay $0x3  }
0x34: {  	[smem:$0x3FBA] =	sst s10  }
0x35: {  	s10 =	sld [smem:$0x3FB9];
	_ =	sdelay $0x3  }
0x36: {  	p1 =	seq.s32 s10, $0x1;
	s10 =	sld [smem:$0x3FBA];
	_ =	sdelay $0x3  }
0x37: {  	[smem:$0x3FBA] =	sst s10  }
0x38: {  	s10 =	sld [smem:$0x3FBB]  }
0x39: {  	_ = 	snop;
	(pc) =	sbr.ind lr, $3  }
0x3a: {  	_ = 	snop  }
0x3b: {  	_ = 	snop  }
0x3c: {  	p2 =	seq.s32 s10, $0x1;
	s10 =	sld [smem:$0x3FBA]  }
0x3d: {  	_ =	shalt  }
0x3e: {  	_ =	shalt  }
0x3f: {  	_ =	shalt  }
0x40: {  	_ =	shalt  }
0x41: {  	_ =	shalt  }
0x42: {  	_ =	shalt  }
0x43: {  	_ =	shalt  }
0x44: {  	_ =	shalt  }
0x45: {  	_ =	shalt  }
0x46: {  	_ =	shalt  }
0x47: {  	_ =	shalt  }
0x48: {  	_ =	shalt  }
0x49: {  	_ =	shalt  }
0x4a: {  	_ =	shalt  }
0x4b: {  	_ =	shalt  }
0x4c: {  	_ =	shalt  }
0x4d: {  	_ =	shalt  }
0x4e: {  	_ =	shalt  }
0x4f: {  	_ =	shalt  }
0x50: {  	_ =	shalt  }
0x51: {  	_ =	shalt  }
0x52: {  	_ =	shalt  }
0x53: {  	_ =	shalt  }
0x54: {  	_ =	shalt  }
0x55: {  	_ =	shalt  }
0x56: {  	_ =	shalt  }
0x57: {  	_ =	shalt  }
0x58: {  	_ =	shalt  }
0x59: {  	_ =	shalt  }
0x5a: {  	_ =	shalt  }
0x5b: {  	_ =	shalt  }
0x5c: {  	_ =	shalt  }
0x5d: {  	_ =	shalt  }
0x5e: {  	_ =	shalt  }
0x5f: {  	_ =	shalt  }
0x60: {  	_ =	shalt  }
0x61: {  	_ =	shalt  }
0x62: {  	_ =	shalt  }
0x63: {  	_ =	shalt  }
0x64: {  	_ =	shalt  }
0x65: {  	_ =	shalt  }
0x66: {  	_ =	shalt  }
0x67: {  	_ =	shalt  }
0x68: {  	_ =	shalt  }
0x69: {  	_ =	shalt  }
0x6a: {  	_ =	shalt  }
0x6b: {  	_ =	shalt  }
0x6c: {  	_ =	shalt  }
0x6d: {  	_ =	shalt  }
0x6e: {  	_ =	shalt  }
0x6f: {  	_ =	shalt  }
0x70: {  	_ =	shalt  }
0x71: {  	_ =	shalt  }
0x72: {  	_ =	shalt  }
0x73: {  	_ =	shalt  }
0x74: {  	_ =	shalt  }
0x75: {  	_ =	shalt  }
0x76: {  	_ =	shalt  }
0x77: {  	_ =	shalt  }
0x78: {  	_ =	shalt  }
0x79: {  	_ =	shalt  }
0x7a: {  	_ =	shalt  }
0x7b: {  	_ =	shalt  }
0x7c: {  	_ =	shalt  }
0x7d: {  	_ =	shalt  }
0x7e: {  	_ =	shalt  }
0x7f: {  	_ =	shalt  }
0x80: {  	_ =	shalt  }
0x81: {  	_ =	shalt  }
0x82: {  	_ =	shalt  }
0x83: {  	_ =	shalt  }
0x84: {  	_ =	shalt  }
0x85: {  	_ =	shalt  }
0x86: {  	_ =	shalt  }
0x87: {  	_ =	shalt  }
.Lfunc_end0:
.L_simem_size_0:
called_computation.1_lowered:
.L_overlay_start_0:
0x88: {  	s2 =	sld [smem:$0x3FD9]  }
0x89: {  	s3 =	sld [smem:$0x3FFE];
	_ =	sdelay $0x1  }
0x8a: {  	s1 =	srdreg.scid  }
0x8b: {  	s0 =	sand.u32 $0x1, s1  }
0x8c: {  	s17 =	sshll.u32 s0, $0xA;
	s2 =	sadd.s32 s3, s2  }
0x8d: {  	s2 =	sadd.s32 s2, s17  }
0x8e: {  	[smem:$0x3FC6] =	sst s2  }
0x8f: {  	_ = 	snop  }
0x90: {  	s2 =	sld [smem:$0x3FD0];
	(tm) =	ssettm $0x1  }
0x91: {  	s18 =	sld [smem:$0x3FFB];
	_ =	sdelay $0x3  }
0x92: {  	_ =	strace s18  }
0x93: {  	s3 =	sld [smem:$0x3FFC];
	_ =	sdelay $0x3  }
0x94: {  	_ =	strace s3  }
0x95: {  	s3 =	sld [smem:$0x3FFD];
	_ =	sdelay $0x3  }
0x96: {  	_ =	strace s3  }
0x97: {  	_ =	strace $0x8FFFFFFF  }
0x98: {  	s19 =	sld [smem:$0x3FDB];
	_ =	sdelay $0x1  }
0x99: {  	s4 =	simm.s32 $_scs_section_size  }
0x9a: {  	s5 =	simm.s32 $_size__tile_overlayer_lowered;
	s6 =	simm.s32 $_tile_overlayer_lowered  }
0x9b: {  	s22 =	simm.s32 $0x1BFF;
	s21 =	sshll.u32 s6, $0x1;
	s3 =	sadd.s32 s4, s19  }
0x9c: {  	s7 =	simm.s32 $0x0;
	s20 =	sshll.u32 s5, $0x1;
	s5 =	sadd.s32 s21, s3  }
0x9d: {  	[timem:s7], [sflag:s22] =	dma.local [hbm:s5], s20  }
0x9e: {  	_ =	swait.ge [sflag:s22], s20  }
0x9f: {  	s4 =	ssub.s32 $0x0, s20;
	[sflag:s22] =	ssyncset.done $0x0  }
0xa0: {  	[sflag:s22] =	ssyncadd.s32 s4;
	_ =	sdelay $0x1  }
0xa1: {  	s23 =	simm.s32 $0x1B8B  }
0xa2: {  	_ =	swait.ge [sflag:s23], $0x1  }
0xa3: {  	[sflag:s23] =	ssyncset.done $0x0  }
0xa4: {  	s25 =	simm.s32 $0x1B8E;
	s24 =	sld [smem:$0x3FFE];
	[sflag:s23] =	ssyncadd.s32 $0xFFFFFFFF  }
0xa5: {  	s26 =	simm.s32 $execute0_lowered;
	[smem:$0x3FD2] =	sst s25  }
0xa6: {  	s5 =	sshll.u32 s26, $0x1;
	_ =	strace $0x80000046;
	[dreg:$0x1] =	wrdreg $0xFFFFFFFF  }
0xa7: {  	s28 =	simm.s32 $_size_execute0_lowered;
	s3 =	sadd.s32 s3, s5;
	[dreg:$0x0] =	wrdreg $0x0  }
0xa8: {  	s5 =	sshll.u32 s28, $0x1;
	[dreg:$0x2] =	wrdreg s3  }
0xa9: {  	[dreg:$0x3] =	wrdreg s5  }
0xaa: {  	[dreg:$0x4] =	wrdreg $0xC0  }
0xab: {  	_ =	task [dreg:s7], $0x5FFFF  }
0xac: {  	[dreg:$0x1] =	wrdreg $0xFFFFFFFF  }
0xad: {  	[dreg:$0x0] =	wrdreg $0x60  }
0xae: {  	[dreg:$0x2] =	wrdreg s2  }
0xaf: {  	[dreg:$0x3] =	wrdreg s24  }
0xb0: {  	[dreg:$0x4] =	wrdreg $0x9  }
0xb1: {  	_ =	task.clear_ibuf [dreg:s7], $0x5FFFF;
	_ =	strace $0x90000046  }
0xb2: {  	s29 =	simm.s32 $0x9;
	_ =	strace $0x80000048  }
0xb3: {  	_ =	swait.ge [sflag:s29], $0x1  }
0xb4: {  	[sflag:s29] =	ssyncadd.s32 $0xFFFFFFFF  }
0xb5: {  	_ =	strace $0x90000048  }
0xb6: {  	_ =	sfence  }
0xb7: {  	s30 =	sld [smem:$0x0];
	_ =	sdelay $0x2  }
0xb8: {  	s31 =	sshll.u32 s1, $0xD;
	s1 =	sshrl.u32 s1, $0x2  }
0xb9: {  	s3 =	sand.u32 $0x4000, s31;
	s1 =	sadd.s32 s1, s30  }
0xba: {  	s0 =	sor.u32 s3, s0;
	s1 =	sshll.u32 s1, $0x11  }
0xbb: {  	s0 =	sor.u32 s1, s0  }
0xbc: {  	s0 =	sadd.s32 $0x8F2B, s0  }
0xbd: {  	[sflag:s0] =	ssyncadd.remote.s32 $0x1  }
0xbe: {  	_ =	sfence.sel $0xFFFF  }
0xbf: {  	[dreg:$0x0] =	wrdreg $0xFFFFFFFF;
	(pc) =	sbr.abs _section_cstart, $3  }
0xc0: {  	[dreg:$0x1] =	wrdreg $0xFFFFFFFF  }
0xc1: {  	_ =	task.clear_ibuf [dreg:s7], $0x2FFFF;
	_ =	strace $0x9FFFFFFF  }
0xc2: {  	(tm) =	ssettm $0x7FFFFFFF  }
0xc3: {  	_ =	shalt  }
tec
execute0_lowered:
.L_overlay_start_1:
0x0: {  	(tag) =	ssettag $0x1  }
0x1: {  	s0 =	rddreg [dreg:$0x0]  }
0x2: {  	s1 =	rddreg [dreg:$0x1]  }
0x3: {  	s3 =	srdreg.scid;
	s12 =	stileid.u32;
	s2 =	simm.s32 $0x0  }
0x4: {  	s28 =	simm.s32 $0x40;
	s29 =	simm.s32 $0x80;
	s30 =	simm.s32 $0x4  }
0x5: {  	s31 =	simm.s32 $0x5;
	s5 =	sand.u32 $0x1, s3;
	s19 =	sshll.u32 s12, $0x1  }
0x6: {  	[smem:$0x7FF] =	sst s2;
	s3 =	sadd.s32 $0xF42E00, s1;
	s24 =	smul.u32 $0xC800, s12  }
0x7: {  	s6 =	sor.u32 s5, s19;
	s4 =	ssub.s32 $0x2, s5;
	s5 =	smul.u32 $0x6400, s5  }
0x8: {  	s1 =	sadd.s32 $0xA00, s1;
	_ =	strace $0x80000047;
	s7 =	smul.u32 $0x6400, s6  }
0x9: {  	s8 =	sshrl.u32 s4, $0x1;
	s9 =	smul.u32 $0x320000, s6;
	s10 =	sshll.u32 s6, $0x11  }
0xa: {  	s6 =	smul.u32 $0x64000, s6;
	s8 =	ssub.s32 s4, s8;
	s10 =	sand.u32 $0x60000, s10  }
0xb: {  	s5 =	sadd.s32 s5, s24;
	s24 =	simm.s32 $0x2;
	s20 =	sshrl.u32 s7, $0x3  }
0xc: {  	s7 =	sor.u32 $0x200, s7;
	s9 =	sand.u32 $0x7F80000, s9;
	s6 =	sadd.s32 s1, s6  }
0xd: {  	s26 =	sadd.s32 $0x800, s5;
	s4 =	sadd.s32 s0, s20;
	s11 =	sshll.u32 s7, $0x7  }
0xe: {  	s7 =	sshrl.u32 s7, $0x3;
	s10 =	sor.u32 s10, s9;
	s13 =	sadd.s32 $0x62000, s6  }
0xf: {  	s14 =	sadd.s32 $0x5C000, s6;
	s16 =	sadd.s32 $0x5E000, s6;
	s11 =	sand.u32 $0x70000, s11  }
0x10: {  	s7 =	sadd.s32 s0, s7;
	s21 =	sshrl.u32 s10, $0x3;
	s23 =	sadd.s32 $0x80, s4  }
0x11: {  	s25 =	sadd.s32 $0xC0, s4;
	s10 =	smax.u32 s8, $0x1;
	[dreg:$0x3] =	wrdreg s7  }
0x12: {  	s12 =	sadd.s32 $0xC40, s4;
	s15 =	sadd.s32 $0xC00, s4;
	[dreg:$0x5] =	wrdreg s23  }
0x13: {  	s9 =	sor.u32 s9, s11;
	s7 =	sadd.s32 s1, s21;
	[dreg:$0x7] =	wrdreg s25  }
0x14: {  	s11 =	sadd.s32 $0x60000, s6;
	s6 =	sshrl.u32 s26, $0x3;
	s21 =	simm.s32 $0x200  }
0x15: {  	s23 =	simm.s32 $0x400;
	s25 =	simm.s32 $0x8400;
	s22 =	sshrl.u32 s9, $0x3  }
0x16: {  	s26 =	simm.s32 $0x3;
	[dreg:$0x4] =	wrdreg s7;
	s7 =	sadd.s32 s1, s22  }
0x17: {  	s17 =	sadd.s32 s6, s0;
	[dreg:$0x6] =	wrdreg s7;
	s7 =	sshll.u32 s5, $0x4  }
0x18: {  	s22 =	simm.s32 $0x1;
	s5 =	sadd.s32 $0xA00, s5;
	s1 =	sadd.s32 s1, s7  }
0x19: {  	s5 =	sshrl.u32 s5, $0x3;
	s18 =	sadd.s32 $0x4000, s1;
	s19 =	sadd.s32 $0x6000, s1  }
0x1a: {  	s20 =	sadd.s32 s5, s0;
	s0 =	simm.s32 $0x6;
	s1 =	simm.s32 $0x0  }
.LBB2_1:
0x1b: {  	[tilespmem:s2], [sflag:$0x1] =	stream.linear.gather [hbm4b:s4+s2], $0x200, $0x38;
	[tilespmem:$0x10400] =	vst v63  }
0x1c: {  	s5 =	rddreg [dreg:$0x3]  }
0x1d: {  	[tilespmem:s21], [sflag:$0x2] =	stream.linear.gather [hbm4b:s5+s2], $0x200, $0x38;
	[tilespmem:$0x10400] =	vst v63  }
0x1e: {  	_ =	swait.ge [sflag:s22], $0x200  }
0x1f: {  	[sflag:s22] =	ssyncset.done $0x0  }
0x20: {  	[sflag:s22] =	ssyncadd.s32 $0xFFFFFE00  }
0x21: {  	[tilespmem:s23], [sflag:$0x3] =	stream.indirect.gather [hbm4b:s3+s21], $0x40, s2, s21, $0xb8;
	[tilespmem:$0x10400] =	vst v63  }
0x22: {  	_ =	swait.ge [sflag:s24], $0x200  }
0x23: {  	[sflag:s24] =	ssyncset.done $0x0  }
0x24: {  	[sflag:s24] =	ssyncadd.s32 $0xFFFFFE00  }
0x25: {  	[tilespmem:s25], [sflag:$0x4] =	stream.indirect.gather [hbm4b:s3+s21], $0x40, s21, s21, $0xb8;
	[tilespmem:$0x10400] =	vst v63  }
0x26: {  	_ =	swait.ge [sflag:s26], $0x8000  }
0x27: {  	[sflag:s26] =	ssyncset.done $0x0  }
0x28: {  	s9 =	rddreg [dreg:$0x4];
	[sflag:s26] =	ssyncadd.s32 $0xFFFF8000  }
0x29: {  	[hbm4b:s9+s28] =	stream.strided.scatter [tilespmem:s23], [sflag:$0x5], $0x8000, s29, s28, $0x38;
	[tilespmem:$0x10400] =	vst v63  }
0x2a: {  	s6 =	rddreg [dreg:$0x5]  }
0x2b: {  	[tilespmem:s2], [sflag:$0x1] =	stream.linear.gather [hbm4b:s6+s2], $0x200, $0x38;
	[tilespmem:$0x10400] =	vst v63  }
0x2c: {  	_ =	swait.ge [sflag:s30], $0x8000  }
0x2d: {  	[sflag:s30] =	ssyncset.done $0x0  }
0x2e: {  	s7 =	rddreg [dreg:$0x6];
	[sflag:s30] =	ssyncadd.s32 $0xFFFF8000  }
0x2f: {  	[hbm4b:s7+s28] =	stream.strided.scatter [tilespmem:s25], [sflag:$0x6], $0x8000, s29, s28, $0x38;
	[tilespmem:$0x10400] =	vst v63  }
0x30: {  	s8 =	rddreg [dreg:$0x7]  }
0x31: {  	[tilespmem:s21], [sflag:$0x2] =	stream.linear.gather [hbm4b:s8+s2], $0x200, $0x38;
	[tilespmem:$0x10400] =	vst v63  }
0x32: {  	_ =	swait.ge [sflag:s22], $0x200  }
0x33: {  	[sflag:s22] =	ssyncset.done $0x0  }
0x34: {  	[sflag:s22] =	ssyncadd.s32 $0xFFFFFE00  }
0x35: {  	_ =	swait.ge [sflag:s31], $0x8000  }
0x36: {  	[sflag:s31] =	ssyncset.done $0x0  }
0x37: {  	[sflag:s31] =	ssyncadd.s32 $0xFFFF8000  }
0x38: {  	[tilespmem:s23], [sflag:$0x3] =	stream.indirect.gather [hbm4b:s3+s21], $0x40, s2, s21, $0xb8;
	[tilespmem:$0x10400] =	vst v63  }
0x39: {  	_ =	swait.ge [sflag:s24], $0x200  }
0x3a: {  	[sflag:s24] =	ssyncset.done $0x0  }
0x3b: {  	[sflag:s24] =	ssyncadd.s32 $0xFFFFFE00  }
0x3c: {  	_ =	swait.ge [sflag:s0], $0x8000  }
0x3d: {  	[sflag:s0] =	ssyncset.done $0x0  }
0x3e: {  	[sflag:s0] =	ssyncadd.s32 $0xFFFF8000  }
0x3f: {  	[tilespmem:s25], [sflag:$0x4] =	stream.indirect.gather [hbm4b:s3+s21], $0x40, s21, s21, $0xb8;
	[tilespmem:$0x10400] =	vst v63  }
0x40: {  	_ =	swait.ge [sflag:s26], $0x8000  }
0x41: {  	[sflag:s26] =	ssyncset.done $0x0  }
0x42: {  	[sflag:s26] =	ssyncadd.s32 $0xFFFF8000  }
0x43: {  	[hbm4b:s18+s28] =	stream.strided.scatter [tilespmem:s23], [sflag:$0x5], $0x8000, s29, s28, $0x38;
	[tilespmem:$0x10400] =	vst v63  }
0x44: {  	s9 =	sadd.s32 $0x0, s17  }
0x45: {  	[tilespmem:s2], [sflag:$0x1] =	stream.linear.gather [hbm4b:s9+s2], $0x200, $0x38;
	[tilespmem:$0x10400] =	vst v63  }
0x46: {  	_ =	swait.ge [sflag:s30], $0x8000  }
0x47: {  	s5 =	simm.s32 $0x80;
	s6 =	sadd.s32 $0x4000, s18;
	[sflag:s30] =	ssyncset.done $0x0  }
0x48: {  	s7 =	sadd.s32 $0x4000, s19;
	s8 =	sadd.s32 $0x0, s20;
	[sflag:s30] =	ssyncadd.s32 $0xFFFF8000  }
0x49: {  	[hbm4b:s19+s28] =	stream.strided.scatter [tilespmem:s25], [sflag:$0x6], $0x8000, s29, s28, $0x38;
	[tilespmem:$0x10400] =	vst v63  }
.LBB2_2:
0x4a: {  	[tilespmem:s21], [sflag:$0x2] =	stream.linear.gather [hbm4b:s8+s2], $0x200, $0x38;
	[tilespmem:$0x10400] =	vst v63  }
0x4b: {  	s8 =	smov.u32 s5  }
0x4c: {  	p0 =	sne.s32 s5, $0xA80;
	s5 =	sadd.s32 $0x80, s5;
	_ =	swait.ge [sflag:s22], $0x200  }
0x4d: {  	[sflag:s22] =	ssyncset.done $0x0  }
0x4e: {  	[sflag:s22] =	ssyncadd.s32 $0xFFFFFE00  }
0x4f: {  	_ =	swait.ge [sflag:s31], $0x8000  }
0x50: {  	[sflag:s31] =	ssyncset.done $0x0  }
0x51: {  	[sflag:s31] =	ssyncadd.s32 $0xFFFF8000  }
0x52: {  	[tilespmem:s23], [sflag:$0x3] =	stream.indirect.gather [hbm4b:s3+s21], $0x40, s2, s21, $0xb8;
	[tilespmem:$0x10400] =	vst v63  }
0x53: {  	_ =	swait.ge [sflag:s24], $0x200  }
0x54: {  	[sflag:s24] =	ssyncset.done $0x0  }
0x55: {  	[sflag:s24] =	ssyncadd.s32 $0xFFFFFE00  }
0x56: {  	_ =	swait.ge [sflag:s0], $0x8000  }
0x57: {  	[sflag:s0] =	ssyncset.done $0x0  }
0x58: {  	[sflag:s0] =	ssyncadd.s32 $0xFFFF8000  }
0x59: {  	[tilespmem:s25], [sflag:$0x4] =	stream.indirect.gather [hbm4b:s3+s21], $0x40, s21, s21, $0xb8;
	[tilespmem:$0x10400] =	vst v63  }
0x5a: {  	_ =	swait.ge [sflag:s26], $0x8000  }
0x5b: {  	[sflag:s26] =	ssyncset.done $0x0  }
0x5c: {  	[sflag:s26] =	ssyncadd.s32 $0xFFFF8000  }
0x5d: {  	[hbm4b:s6+s28] =	stream.strided.scatter [tilespmem:s23], [sflag:$0x5], $0x8000, s29, s28, $0x38;
	[tilespmem:$0x10400] =	vst v63  }
0x5e: {  	s9 =	sadd.s32 s8, s17  }
0x5f: {  	[tilespmem:s2], [sflag:$0x1] =	stream.linear.gather [hbm4b:s9+s2], $0x200, $0x38;
	[tilespmem:$0x10400] =	vst v63  }
.Ltmp0:
0x60: {  	_ =	swait.ge [sflag:s30], $0x8000;
	(pc) =	sbr.rel @p0 .LBB2_2-.Ltmp0, $4  }
0x61: {  	[sflag:s30] =	ssyncset.done $0x0  }
0x62: {  	[sflag:s30] =	ssyncadd.s32 $0xFFFF8000  }
0x63: {  	[hbm4b:s7+s28] =	stream.strided.scatter [tilespmem:s25], [sflag:$0x6], $0x8000, s29, s28, $0x38;
	[tilespmem:$0x10400] =	vst v63  }
0x64: {  	s8 =	sadd.s32 s8, s20;
	s6 =	sadd.s32 $0x4000, s6;
	s7 =	sadd.s32 $0x4000, s7  }
0x65: {  	[tilespmem:s21], [sflag:$0x2] =	stream.linear.gather [hbm4b:s8+s2], $0x200, $0x38;
	[tilespmem:$0x10400] =	vst v63  }
0x66: {  	_ =	swait.ge [sflag:s22], $0x200  }
0x67: {  	[sflag:s22] =	ssyncset.done $0x0  }
0x68: {  	[sflag:s22] =	ssyncadd.s32 $0xFFFFFE00  }
0x69: {  	_ =	swait.ge [sflag:s31], $0x8000  }
0x6a: {  	[sflag:s31] =	ssyncset.done $0x0  }
0x6b: {  	[sflag:s31] =	ssyncadd.s32 $0xFFFF8000  }
0x6c: {  	[tilespmem:s23], [sflag:$0x3] =	stream.indirect.gather [hbm4b:s3+s21], $0x40, s2, s21, $0xb8;
	[tilespmem:$0x10400] =	vst v63  }
0x6d: {  	_ =	swait.ge [sflag:s24], $0x200  }
0x6e: {  	[sflag:s24] =	ssyncset.done $0x0  }
0x6f: {  	[sflag:s24] =	ssyncadd.s32 $0xFFFFFE00  }
0x70: {  	_ =	swait.ge [sflag:s0], $0x8000  }
0x71: {  	[sflag:s0] =	ssyncset.done $0x0  }
0x72: {  	[sflag:s0] =	ssyncadd.s32 $0xFFFF8000  }
0x73: {  	[tilespmem:s25], [sflag:$0x4] =	stream.indirect.gather [hbm4b:s3+s21], $0x40, s21, s21, $0xb8;
	[tilespmem:$0x10400] =	vst v63  }
0x74: {  	_ =	swait.ge [sflag:s26], $0x8000  }
0x75: {  	[sflag:s26] =	ssyncset.done $0x0  }
0x76: {  	[sflag:s26] =	ssyncadd.s32 $0xFFFF8000  }
0x77: {  	[hbm4b:s14+s28] =	stream.strided.scatter [tilespmem:s23], [sflag:$0x5], $0x8000, s29, s28, $0x38;
	[tilespmem:$0x10400] =	vst v63  }
0x78: {  	_ = 	snop  }
0x79: {  	[tilespmem:s2], [sflag:$0x1] =	stream.linear.gather [hbm4b:s15+s2], $0x200, $0x38;
	[tilespmem:$0x10400] =	vst v63  }
0x7a: {  	_ =	swait.ge [sflag:s30], $0x8000  }
0x7b: {  	[sflag:s30] =	ssyncset.done $0x0  }
0x7c: {  	[sflag:s30] =	ssyncadd.s32 $0xFFFF8000  }
0x7d: {  	[hbm4b:s16+s28] =	stream.strided.scatter [tilespmem:s25], [sflag:$0x6], $0x8000, s29, s28, $0x38;
	[tilespmem:$0x10400] =	vst v63  }
0x7e: {  	_ = 	snop  }
0x7f: {  	[tilespmem:s21], [sflag:$0x2] =	stream.linear.gather [hbm4b:s12+s2], $0x200, $0x38;
	[tilespmem:$0x10400] =	vst v63  }
0x80: {  	_ =	swait.ge [sflag:s22], $0x200  }
0x81: {  	[sflag:s22] =	ssyncset.done $0x0  }
0x82: {  	[sflag:s22] =	ssyncadd.s32 $0xFFFFFE00  }
0x83: {  	_ =	swait.ge [sflag:s31], $0x8000  }
0x84: {  	[sflag:s31] =	ssyncset.done $0x0  }
0x85: {  	[sflag:s31] =	ssyncadd.s32 $0xFFFF8000  }
0x86: {  	[tilespmem:s23], [sflag:$0x3] =	stream.indirect.gather [hbm4b:s3+s21], $0x40, s2, s21, $0xb8;
	[tilespmem:$0x10400] =	vst v63  }
0x87: {  	_ =	swait.ge [sflag:s24], $0x200  }
0x88: {  	[sflag:s24] =	ssyncset.done $0x0  }
0x89: {  	[sflag:s24] =	ssyncadd.s32 $0xFFFFFE00  }
0x8a: {  	_ =	swait.ge [sflag:s0], $0x8000  }
0x8b: {  	[sflag:s0] =	ssyncset.done $0x0  }
0x8c: {  	[sflag:s0] =	ssyncadd.s32 $0xFFFF8000  }
0x8d: {  	[tilespmem:s25], [sflag:$0x4] =	stream.indirect.gather [hbm4b:s3+s21], $0x40, s21, s21, $0xb8;
	[tilespmem:$0x10400] =	vst v63  }
0x8e: {  	_ =	swait.ge [sflag:s26], $0x8000  }
0x8f: {  	[sflag:s26] =	ssyncset.done $0x0  }
0x90: {  	[sflag:s26] =	ssyncadd.s32 $0xFFFF8000  }
0x91: {  	[hbm4b:s11+s28] =	stream.strided.scatter [tilespmem:s23], [sflag:$0x5], $0x8000, s29, s28, $0x38;
	[tilespmem:$0x10400] =	vst v63  }
0x92: {  	_ = 	snop  }
0x93: {  	[tilespmem:s2], [sflag:$0x1] =	stream.linear.gather [hbm4b:s12+s2], $0x200, $0x38;
	[tilespmem:$0x10400] =	vst v63  }
0x94: {  	_ =	swait.ge [sflag:s30], $0x8000  }
0x95: {  	[sflag:s30] =	ssyncset.done $0x0  }
0x96: {  	[sflag:s30] =	ssyncadd.s32 $0xFFFF8000  }
0x97: {  	[hbm4b:s13+s28] =	stream.strided.scatter [tilespmem:s25], [sflag:$0x6], $0x8000, s29, s28, $0x38;
	[tilespmem:$0x10400] =	vst v63  }
0x98: {  	_ = 	snop  }
0x99: {  	[tilespmem:s21], [sflag:$0x2] =	stream.linear.gather [hbm4b:s12+s2], $0x200, $0x38;
	[tilespmem:$0x10400] =	vst v63  }
0x9a: {  	_ =	swait.ge [sflag:s31], $0x8000  }
0x9b: {  	[sflag:s31] =	ssyncset.done $0x0  }
0x9c: {  	[sflag:s31] =	ssyncadd.s32 $0xFFFF8000  }
0x9d: {  	_ =	swait.ge [sflag:s0], $0x8000  }
0x9e: {  	[sflag:s0] =	ssyncset.done $0x0  }
0x9f: {  	s1 =	sadd.s32 $0x1, s1;
	[sflag:s0] =	ssyncadd.s32 $0xFFFF8000  }
0xa0: {  	p0 =	sne.s32 s1, s10;
	_ =	swait.ge [sflag:s22], $0x200  }
.Ltmp1:
0xa1: {  	[sflag:s22] =	ssyncset.done $0x0;
	(pc) =	sbr.rel @p0 .LBB2_1-.Ltmp1, $4  }
0xa2: {  	[sflag:s22] =	ssyncadd.s32 $0xFFFFFE00  }
0xa3: {  	_ =	swait.ge [sflag:s24], $0x200  }
0xa4: {  	[sflag:s24] =	ssyncset.done $0x0  }
0xa5: {  	[sflag:s24] =	ssyncadd.s32 $0xFFFFFE00  }
0xa6: {  	_ =	sfence.sel $0x180000  }
0xa7: {  	[bflag:$0x0] =	sbarrier.arrive $0xFFFF  }
0xa8: {  	_ =	strace $0x90000047  }
0xa9: {  	s0 =	stileid.u32;
	[bflag:$0x2] =	sbarrier.arrive $0xFFFF  }
0xaa: {  	p0 =	sne.s32 s0, $0x0;
	s0 =	rddreg [dreg:$0x2]  }
0xab: {  	s0 =	sadd.s32 @!p0 $0x100000, s0  }
0xac: {  	[sflag:s0] =	ssyncadd.tile.s32 @!p0 $0x1;
	_ =	shalt  }
.Lfunc_end2:
_tile_overlayer_lowered:
.L_overlay_start_2:
0xad: {  	(tag) =	ssettag $0x2  }
0xae: {  	s0 =	rddreg [dreg:$0x0];
	s2 =	stileid.u32  }
0xaf: {  	s1 =	rddreg [dreg:$0x1];
	p0 =	sne.s32 s2, $0x0  }
0xb0: {  	s3 =	rddreg [dreg:$0x2];
	[bflag:$0x3] =	sbarrier.arrive $0xFFFF;
	s2 =	simm.s32 @!p0 $0x1C07  }
0xb1: {  	[timem:s3], [sflag:s2] =	dma.local @!p0 [hbm:s0], s1  }
0xb2: {  	s0 =	simm.s32 @!p0 $0x7  }
0xb3: {  	_ =	swait.ge @!p0 [sflag:s0], s1  }
0xb4: {  	s1 =	ssub.s32 @!p0 $0x0, s1;
	[sflag:s0] =	ssyncset.done @!p0 $0x0  }
0xb5: {  	[sflag:s0] =	ssyncadd.s32 @!p0 s1  }
0xb6: {  	[bflag:$0x3] =	sbarrier.arrive $0xFFFF  }
0xb7: {  	_ =	shalt  }

// kernel: sparse-core-data-format-call.cloned.1.call-start
scs
called_computation_lowered:
.L_overlay_start_0:
0x0: {  	s2 =	sld [smem:$0x3FD9]  }
0x1: {  	s3 =	sld [smem:$0x3FFE];
	_ =	sdelay $0x1  }
0x2: {  	s1 =	srdreg.scid  }
0x3: {  	s0 =	sand.u32 $0x1, s1  }
0x4: {  	s18 =	sshll.u32 s0, $0xA;
	s2 =	sadd.s32 s3, s2  }
0x5: {  	s2 =	sadd.s32 s2, s18  }
0x6: {  	[smem:$0x3FC6] =	sst s2  }
0x7: {  	_ = 	snop  }
0x8: {  	s2 =	sld [smem:$0x3FD0];
	(tm) =	ssettm $0x1  }
0x9: {  	s19 =	sld [smem:$0x3FFB];
	_ =	sdelay $0x3  }
0xa: {  	_ =	strace s19  }
0xb: {  	s3 =	sld [smem:$0x3FFC];
	_ =	sdelay $0x3  }
0xc: {  	_ =	strace s3  }
0xd: {  	s3 =	sld [smem:$0x3FFD];
	_ =	sdelay $0x3  }
0xe: {  	_ =	strace s3  }
0xf: {  	_ =	strace $0x8FFFFFFF  }
0x10: {  	s20 =	sld [smem:$0x3FDB];
	_ =	sdelay $0x1  }
0x11: {  	s4 =	simm.s32 $_scs_section_size  }
0x12: {  	s5 =	simm.s32 $_size__tile_overlayer_lowered;
	s6 =	simm.s32 $_tile_overlayer_lowered  }
0x13: {  	s23 =	simm.s32 $0x1BFF;
	s22 =	sshll.u32 s6, $0x1;
	s3 =	sadd.s32 s4, s20  }
0x14: {  	s7 =	simm.s32 $0x0;
	s21 =	sshll.u32 s5, $0x1;
	s5 =	sadd.s32 s22, s3  }
0x15: {  	[timem:s7], [sflag:s23] =	dma.local [hbm:s5], s21  }
0x16: {  	_ =	swait.ge [sflag:s23], s21  }
0x17: {  	s4 =	ssub.s32 $0x0, s21;
	[sflag:s23] =	ssyncset.done $0x0  }
0x18: {  	[sflag:s23] =	ssyncadd.s32 s4;
	_ =	sdelay $0x1  }
0x19: {  	s24 =	simm.s32 $0x1B8B  }
0x1a: {  	_ =	swait.ge [sflag:s24], $0x1  }
0x1b: {  	[sflag:s24] =	ssyncset.done $0x0  }
0x1c: {  	s26 =	simm.s32 $0x1B8E;
	s25 =	sld [smem:$0x3FFE];
	[sflag:s24] =	ssyncadd.s32 $0xFFFFFFFF  }
0x1d: {  	s27 =	simm.s32 $execute0_lowered;
	[smem:$0x3FD2] =	sst s26  }
0x1e: {  	s5 =	sshll.u32 s27, $0x1;
	_ =	strace $0x80000049;
	[dreg:$0x1] =	wrdreg $0xFFFFFFFF  }
0x1f: {  	s28 =	simm.s32 $_size_execute0_lowered;
	s3 =	sadd.s32 s3, s5;
	[dreg:$0x0] =	wrdreg $0x0  }
0x20: {  	s5 =	sshll.u32 s28, $0x1;
	[dreg:$0x2] =	wrdreg s3  }
0x21: {  	[dreg:$0x3] =	wrdreg s5  }
0x22: {  	[dreg:$0x4] =	wrdreg $0xC0  }
0x23: {  	_ =	task [dreg:s7], $0x5FFFF  }
0x24: {  	[dreg:$0x1] =	wrdreg $0xFFFFFFFF  }
0x25: {  	[dreg:$0x0] =	wrdreg $0x60  }
0x26: {  	[dreg:$0x2] =	wrdreg s25  }
0x27: {  	[dreg:$0x3] =	wrdreg s2  }
0x28: {  	[dreg:$0x4] =	wrdreg $0x9  }
0x29: {  	_ =	task.clear_ibuf [dreg:s7], $0x5FFFF;
	_ =	strace $0x90000049  }
0x2a: {  	s29 =	simm.s32 $0x9;
	_ =	strace $0x8000004B  }
0x2b: {  	_ =	swait.ge [sflag:s29], $0x1  }
0x2c: {  	[sflag:s29] =	ssyncadd.s32 $0xFFFFFFFF  }
0x2d: {  	_ =	strace $0x9000004B  }
0x2e: {  	_ =	sfence  }
0x2f: {  	s30 =	sld [smem:$0x0];
	_ =	sdelay $0x2  }
0x30: {  	s31 =	sshll.u32 s1, $0xD;
	s1 =	sshrl.u32 s1, $0x2  }
0x31: {  	s3 =	sand.u32 $0x4000, s31;
	s1 =	sadd.s32 s1, s30  }
0x32: {  	s0 =	sor.u32 s3, s0;
	s1 =	sshll.u32 s1, $0x11  }
0x33: {  	s0 =	sor.u32 s1, s0  }
0x34: {  	s0 =	sadd.s32 $0x8F2B, s0  }
0x35: {  	[sflag:s0] =	ssyncadd.remote.s32 $0x1  }
0x36: {  	_ =	sfence.sel $0xFFFF  }
0x37: {  	[dreg:$0x0] =	wrdreg $0xFFFFFFFF;
	(pc) =	sbr.abs _section_cstart, $3  }
0x38: {  	[dreg:$0x1] =	wrdreg $0xFFFFFFFF  }
0x39: {  	_ =	task.clear_ibuf [dreg:s7], $0x2FFFF;
	_ =	strace $0x9FFFFFFF  }
0x3a: {  	(tm) =	ssettm $0x7FFFFFFF  }
0x3b: {  	_ =	shalt  }
tec
execute0_lowered:
.L_overlay_start_1:
0x0: {  	(tag) =	ssettag $0x1  }
0x1: {  	s0 =	srdreg.scid  }
0x2: {  	s1 =	sshll.u32 s0, $0x4  }
0x3: {  	s5 =	rddreg [dreg:$0x0];
	s0 =	stileid.u32;
	s1 =	sand.u32 $0x10, s1  }
0x4: {  	s3 =	rddreg [dreg:$0x1];
	s31 =	simm.s32 $0x2;
	s4 =	sor.u32 s0, s1  }
0x5: {  	s13 =	simm.s32 $0x0;
	s9 =	simm.s32 $0x400;
	s2 =	sshll.u32 s4, $0x7  }
0x6: {  	s10 =	simm.s32 $0x8000;
	s14 =	simm.s32 $0x0;
	s6 =	ssub.s32 $0x1000, s2  }
0x7: {  	s1 =	rddreg [dreg:$0x2];
	_ =	strace $0x8000004A;
	s7 =	sand.u32 $0xF80, s6  }
0x8: {  	s4 =	sshll.u32 s4, $0xB;
	p0 =	sne.s32 s7, $0x0;
	s7 =	simm.s32 $0x1  }
.Ltmp0:
0x9: {  	s6 =	sshrl.u32 s6, $0xC;
	s7 =	simm.s32 @!p0 $0x0;
	(pc) =	sbr.rel .LBB1_1-.Ltmp0, $4  }
0xa: {  	s8 =	sadd.s32 s4, s5;
	s4 =	simm.s32 $0x1;
	s30 =	sadd.s32 s7, s6  }
0xb: {  	s11 =	simm.s32 $0x0;
	[sflag:s4] =	ssyncpa.u1 $0x0;
	s5 =	smul.u32 $0x64, s30  }
0xc: {  	s12 =	simm.s32 $0x0;
	[sflag:s31] =	ssyncpa.u1 $0x0;
	p0 =	por $0x0, $0x0  }
0xd: {  	s6 =	sadd.s32 $0xA00, s8;
	s7 =	sadd.s32 $0x10A00, s8;
	s8 =	sor.u32 $0x1, s5  }
.LBB1_7:
0xe: {  	s15 =	sadd.s32 $0x2, s11  }
0xf: {  	p2 =	sgt.s32 s15, $0xC7  }
0x10: {  	s15 =	simm.s32 @p2 $0x0;
	p2 =	sne.s32 s12, s8  }
.Ltmp1:
0x11: {  	p1 =	slt.u32 s12, $0x2;
	(pc) =	sbr.rel @!p2 .LBB1_8-.Ltmp1, $4  }
0x12: {  	s13 =	simm.s32 @!p1 $0x2  }
0x13: {  	s16 =	sadd.s32 $0x1, s12;
	s14 =	smov.u32 s11;
	_ =	swait.ge @!p1 [sflag:s13], $0x4000  }
0x14: {  	p0 =	por !p0, !p0;
	s12 =	smov.u32 s16;
	[sflag:s13] =	ssyncset.done @!p1 $0x0  }
0x15: {  	s11 =	smov.u32 s15;
	[sflag:s13] =	ssyncadd.s32 @!p1 $0xFFFFC000;
	s13 =	smov.u32 s2  }
.LBB1_1:
0x16: {  	p1 =	sge.u32 s12, s5  }
0x17: {  	s15 =	sxor.u32 @!p1 $0xFFFFFFFF, s12  }
0x18: {  	s16 =	sshll.u32 @!p1 s11, $0x10;
	s18 =	simm.s32 @!p1 $0x40;
	s15 =	sshll.u32 @!p1 s15, $0xE  }
0x19: {  	s19 =	simm.s32 @!p1 $0x80;
	s17 =	sadd.s32 @!p1 s16, s6;
	s15 =	sand.u32 @!p1 $0x4000, s15  }
0x1a: {  	[tilespmem:s15], [sflag:$0x1] =	stream.strided.gather @!p1 [hbm4b:s17+s18], $0x2000, s19, s18, $0x38;
	[tilespmem:$0x10100] =	vst v63  }
0x1b: {  	s31 =	sadd.s32 $0xFFFFFFFF, s12;
	s16 =	sadd.s32 @!p1 s16, s7;
	s15 =	sor.u32 @!p1 $0x2000, s15  }
0x1c: {  	[tilespmem:s15], [sflag:$0x1] =	stream.strided.gather @!p1 [hbm4b:s16+s18], $0x2000, s19, s18, $0x38;
	[tilespmem:$0x10100] =	vst v63  }
0x1d: {  	p1 =	sge.u32 s31, s5  }
.Ltmp2:
0x1e: {  	_ = 	snop;
	(pc) =	sbr.rel @p1 .LBB1_7-.Ltmp2, $1  }
0x1f: {  	_ =	sdelay $0x3  }
0x20: {  	s15 =	simm.s32 $0x1;
	s17 =	sand.u32 $0x1, s12  }
0x21: {  	_ =	swait.ge [sflag:s4], $0x4000;
	s15 =	simm.s32 @!p0 $0x0;
	s17 =	smul.u32 $0x10200, s17  }
0x22: {  	p2 =	por $0x1, $0x1;
	[sflag:s4] =	ssyncset.done $0x0;
	s16 =	smul.u32 $0x10200, s15  }
0x23: {  	s18 =	sshll.u32 s15, $0x10;
	[sflag:s4] =	ssyncadd.s32 $0xFFFFC000;
	s30 =	sshrl.u32 s17, $0x2  }
0x24: {  	s31 =	sshrl.u32 s18, $0x2;
	s18 =	simm.s32 $0x0;
	s16 =	sshrl.u32 s16, $0x2  }
0x25: {  	s15 =	sor.u32 $0x8000, s30;
	s17 =	sadd.s32 $0x20, s31;
	s16 =	sor.u32 $0x8000, s16  }
.LBB1_3:
0x26: {  	s19 =	sshll.u32 s18, $0xD  }
0x27: {  	s19 =	sand.u32 $0x3FFFE000, s19  }
0x28: {  	s21 =	sadd.s32 s19, s17  }
0x29: {  	s31 =	smul.u32 $0x8100, s18;
	v3 =	vld [tilespmem:s21+$0x10]  }
0x2a: {  	v1 =	vld [tilespmem:s21+$0xFFFFFFF0]  }
0x2b: {  	s18 =	sshra.s32 s31, $0x2;
	v0 =	vld [tilespmem:s21+$0x0]  }
0x2c: {  	s18 =	sadd.s32 s18, s16;
	v2 =	vld [tilespmem:s21+$0xFFFFFFE0]  }
0x2d: {  	s19 =	sadd.s32 $0x0, s18  }
0x2e: {  	p1 =	por p2, p2;
	s20 =	simm.s32 $0x4;
	s21 =	sadd.s32 $0x40, s21;
	[tilespmem:s19+$0x1830 ss:$0x81] =	vst.msk $0xffff, v3  }
.LBB1_4:
0x2f: {  	v3 =	vld [tilespmem:s21+$0x10];
	p2 =	sne.s32 s20, $0x1FC;
	[tilespmem:s19+$0x810 ss:$0x81] =	vst.msk $0xffff, v1;
	s22 =	smov.u32 s20;
	s20 =	sadd.s32 $0x4, s20  }
.Ltmp3:
0x30: {  	v1 =	vld [tilespmem:s21+$0xFFFFFFF0];
	[tilespmem:s19+$0x1020 ss:$0x81] =	vst.msk $0xffff, v0;
	(pc) =	sbr.rel @p2 .LBB1_4-.Ltmp3, $4  }
0x31: {  	v0 =	vld [tilespmem:s21+$0x0];
	[tilespmem:s19+$0x0 ss:$0x81] =	vst.msk $0xffff, v2  }
0x32: {  	s19 =	sshra.s32 s22, $0x2;
	v2 =	vld [tilespmem:s21+$0xFFFFFFE0]  }
0x33: {  	s19 =	sadd.s32 s19, s18  }
0x34: {  	s21 =	sadd.s32 $0x40, s21;
	[tilespmem:s19+$0x1830 ss:$0x81] =	vst.msk $0xffff, v3  }
.Ltmp4:
0x35: {  	(pc) =	sbr.rel @p1 .LBB1_3-.Ltmp4, $4  }
0x36: {  	_ = 	snop  }
0x37: {  	[tilespmem:s19+$0x810 ss:$0x81] =	vst.msk $0xffff, v1  }
0x38: {  	[tilespmem:s19+$0x1020 ss:$0x81] =	vst.msk $0xffff, v0  }
0x39: {  	s18 =	simm.s32 $0x1;
	p2 =	por $0x0, $0x0;
	[tilespmem:s19+$0x0 ss:$0x81] =	vst.msk $0xffff, v2  }
.Ltmp5:
0x3a: {  	(pc) =	sbr.rel .LBB1_7-.Ltmp5, $4  }
0x3b: {  	s14 =	sshll.u32 s14, $0xF  }
0x3c: {  	s14 =	sadd.s32 s3, s14  }
0x3d: {  	s13 =	sadd.s32 s13, s14  }
0x3e: {  	[hbm4b:s13+s9] =	stream.strided.scatter [tilespmem:s15], [sflag:$0x2], $0x4000, s10, s9, $0x20;
	[tilespmem:$0x10100] =	vst v63  }
.LBB1_8:
0x3f: {  	_ =	sfence.sel $0x180000  }
0x40: {  	s2 =	simm.s32 $0x1;
	[bflag:$0x0] =	sbarrier.arrive $0xFFFF  }
0x41: {  	s31 =	simm.s32 $0x2;
	[sflag:s2] =	ssyncpa.u1 $0x1  }
0x42: {  	[sflag:s31] =	ssyncpa.u1 $0x1  }
0x43: {  	p0 =	sne.s32 s0, $0x0;
	_ =	strace $0x9000004A  }
0x44: {  	s0 =	sadd.s32 @!p0 $0x100000, s1;
	[bflag:$0x2] =	sbarrier.arrive $0xFFFF  }
0x45: {  	[sflag:s0] =	ssyncadd.tile.s32 @!p0 $0x1;
	_ =	shalt  }
.Lfunc_end1:
_tile_overlayer_lowered:
.L_overlay_start_2:
0x46: {  	(tag) =	ssettag $0x2  }
0x47: {  	s0 =	rddreg [dreg:$0x0];
	s2 =	stileid.u32  }
0x48: {  	s1 =	rddreg [dreg:$0x1];
	p0 =	sne.s32 s2, $0x0  }
0x49: {  	s3 =	rddreg [dreg:$0x2];
	[bflag:$0x3] =	sbarrier.arrive $0xFFFF;
	s2 =	simm.s32 @!p0 $0x1C01  }
0x4a: {  	[timem:s3], [sflag:s2] =	dma.local @!p0 [hbm:s0], s1  }
0x4b: {  	s0 =	simm.s32 @!p0 $0x1  }
0x4c: {  	_ =	swait.ge @!p0 [sflag:s0], s1  }
0x4d: {  	s1 =	ssub.s32 @!p0 $0x0, s1;
	[sflag:s0] =	ssyncset.done @!p0 $0x0  }
0x4e: {  	[sflag:s0] =	ssyncadd.s32 @!p0 s1  }
0x4f: {  	[bflag:$0x3] =	sbarrier.arrive $0xFFFF  }
0x50: {  	_ =	shalt  }

</sc_bundles>
